<compile_context>
chip_gen: v7x
topology: tpu7x:2x2x1
jax: 0.10.2.dev20260603
libtpu: 0.0.44.dev20260713+nightly
codegen_flags: <defaults>
</compile_context>

<pallas_src>
import functools

import jax
import jax.numpy as jnp
import numpy as np
from jax import lax
from jax.experimental import pallas as pl
from jax.experimental.pallas import tpu as pltpu
from jax.experimental.pallas import tpu_sc as plsc

N = 10000
E = 320000
D1 = 128
D2 = 128
NC, NS = 2, 16
CH = 128
EP = 327680
K = EP // (NC * NS * CH)
NACC = 10112
RPT = NACC // NS
NDEG = 10240
DPT = NDEG // NS
RB = 2000

def _mesh():
    return plsc.VectorSubcoreMesh(
        core_axis_name="c", subcore_axis_name="s", num_cores=NC, num_subcores=NS
    )


@functools.cache
def _make_sc_degree():
    return functools.partial(
        pl.kernel,
        out_type=jax.ShapeDtypeStruct((NC, NDEG), jnp.float32),
        mesh=_mesh(),
        scratch_types=[
            pltpu.VMEM((K, CH), jnp.int32),
            pltpu.VMEM((CH,), jnp.float32),
            pltpu.VMEM_SHARED((NDEG,), jnp.float32),
            pltpu.SemaphoreType.DMA,
        ],
    )(_sc_degree_body)


def _sc_degree_body(dstp_hbm, zeros_hbm, out_hbm, didx_v, ones_v, deg_sh, sem):
    cid = lax.axis_index("c")
    sid = lax.axis_index("s")
    for i in range(CH // 16):
        ones_v[pl.ds(i * 16, 16)] = jnp.full((16,), 1.0, jnp.float32)
    pltpu.sync_copy(zeros_hbm.at[pl.ds(sid * DPT, DPT)],
                    deg_sh.at[pl.ds(sid * DPT, DPT)])
    pltpu.sync_copy(dstp_hbm.at[cid * NS + sid], didx_v)
    plsc.subcore_barrier()

    def body(k, carry):
        pltpu.async_copy(ones_v, deg_sh.at[didx_v.at[k]], sem, add=True)
        return carry

    lax.fori_loop(0, K, body, 0)

    def drain(k, carry):
        pltpu.make_async_copy(ones_v, deg_sh.at[didx_v.at[0]], sem).wait()
        return carry

    lax.fori_loop(0, K, drain, 0)
    plsc.subcore_barrier()
    pltpu.sync_copy(deg_sh.at[pl.ds(sid * DPT, DPT)],
                    out_hbm.at[cid, pl.ds(sid * DPT, DPT)])


@functools.cache
def _make_sc_scatter(DG, DS):
    @functools.partial(
        pl.kernel,
        out_type=jax.ShapeDtypeStruct((NC, NACC, DS), jnp.float32),
        mesh=_mesh(),
        scratch_types=[
            pltpu.VMEM((K, CH), jnp.int32),
            pltpu.VMEM((K // 2, CH), jnp.int32),
            pltpu.VMEM((2, CH, DS), jnp.float32),
            pltpu.VMEM_SHARED((NACC, DS), jnp.float32),
            pltpu.SemaphoreType.DMA,
            pltpu.SemaphoreType.DMA,
        ],
        compiler_params=pltpu.CompilerParams(
            use_tc_tiling_on_sc=(DS % 128 == 0)),
    )
    def sc_scatter(g_hbm, srcp_hbm, dstp_hbm, zeros_hbm, out_hbm,
                   sidx_v, didx_v, rows_v, acc_sh, gsem, ssem):
        cid = lax.axis_index("c")
        sid = lax.axis_index("s")
        wid = cid * NS + sid
        pltpu.sync_copy(zeros_hbm.at[pl.ds(sid * RPT, RPT)],
                        acc_sh.at[pl.ds(sid * RPT, RPT)])
        pltpu.sync_copy(srcp_hbm.at[wid], sidx_v)
        plsc.subcore_barrier()

        rows_a = rows_v.at[0]
        rows_b = rows_v.at[1]
        K2 = K // 2

        def _gather_src(kk):
            if DS == DG:
                return g_hbm.at[sidx_v.at[kk]]
            return g_hbm.at[sidx_v.at[kk], pl.ds(0, DS)]

        def _wait_scatter(buf):
            pltpu.make_async_copy(buf, acc_sh.at[didx_v.at[0]], ssem).wait()

        def _wait_gather(buf):
            pltpu.make_async_copy(_gather_src(0), buf, gsem).wait()

        for h in range(2):
            pltpu.sync_copy(dstp_hbm.at[wid, pl.ds(h * K2, K2)], didx_v)
            pltpu.async_copy(_gather_src(h * K2), rows_a, gsem)

            def body(j, carry):
                k0 = 2 * j
                s0 = h * K2 + k0

                @pl.when(j >= 1)
                def _():
                    _wait_scatter(rows_b)

                pltpu.async_copy(_gather_src(s0 + 1), rows_b, gsem)
                _wait_gather(rows_a)
                pltpu.async_copy(rows_a, acc_sh.at[didx_v.at[k0]], ssem,
                                 add=True)
                _wait_scatter(rows_a)

                @pl.when(j + 1 < K2 // 2)
                def _():
                    pltpu.async_copy(_gather_src(s0 + 2), rows_a, gsem)

                _wait_gather(rows_b)
                pltpu.async_copy(rows_b, acc_sh.at[didx_v.at[k0 + 1]], ssem,
                                 add=True)
                return carry

            lax.fori_loop(0, K2 // 2, body, 0)
            _wait_scatter(rows_b)
        plsc.subcore_barrier()
        pltpu.sync_copy(acc_sh.at[pl.ds(sid * RPT, RPT)],
                        out_hbm.at[cid, pl.ds(sid * RPT, RPT)])

    return sc_scatter


def _softplus(v):
    return jnp.maximum(v, 0.0) + jnp.log1p(jnp.exp(-jnp.abs(v)))


def _dinv_col(deg_blk):
    return lax.rsqrt(deg_blk[:, 0:1] + deg_blk[:, 1:2] + 1.0)


_LG_N = (10619610.099075997, 11246929.484659938, 5210869.017760828,
         1379496.2658786713, 228235.2154997143, 24165.510665029484,
         1599.042534722041, 60.458333333342054, 0.9999999999998099)
_LG_D = (40320.0, 109584.0, 118124.0, 67284.0, 22449.0, 4536.0, 546.0,
         36.0, 1.0)


def _lgamma1p(y):
    nf = jnp.full_like(y, _LG_N[8])
    df = jnp.full_like(y, _LG_D[8])
    for i in range(7, -1, -1):
        nf = nf * y + _LG_N[i]
        df = df * y + _LG_D[i]
    t = y + 7.5
    return (0.91893853320467274 + (y + 0.5) * jnp.log(t) - t
            + jnp.log(nf) - jnp.log(df))


def _tc0_body(x_ref, w1_ref, h1_ref):
    h1_ref[...] = jnp.dot(x_ref[...], w1_ref[...],
                          preferred_element_type=jnp.float32)


def _tc1_body(h1_ref, deg_ref, g1_ref):
    g1_ref[...] = h1_ref[...] * _dinv_col(deg_ref[...])


def _tc2_body(acc_ref, g1_ref, deg_ref, w2_ref, g2_ref):
    dinv = _dinv_col(deg_ref[...])
    out1 = dinv * (acc_ref[0] + acc_ref[1] + g1_ref[...])
    h1s = _softplus(out1)
    h2 = jnp.dot(h1s, w2_ref[...], preferred_element_type=jnp.float32)
    g2_ref[...] = h2 * dinv


def _tc3_body(acc_ref, g2_ref, deg_ref, z_ref, lbd_ref, kap_ref):
    dinv = _dinv_col(deg_ref[...])
    out2 = dinv * (acc_ref[0] + acc_ref[1] + g2_ref[...])
    h2s = _softplus(out2)
    lbd = h2s[:, 0:64]
    kap = h2s[:, 64:65] + 0.1
    z_ref[...] = lbd * jnp.exp(_lgamma1p(1.0 / kap))
    lbd_ref[...] = lbd
    kap_ref[...] = kap


_GRID = N // RB


def _tc0(x, W1):
    return pl.pallas_call(
        _tc0_body,
        grid=(_GRID,),
        in_specs=[
            pl.BlockSpec((RB, D1), lambda b: (b, 0)),
            pl.BlockSpec((D1, D1), lambda b: (0, 0)),
        ],
        out_specs=pl.BlockSpec((RB, D1), lambda b: (b, 0)),
        out_shape=jax.ShapeDtypeStruct((N, D1), jnp.float32),
    )(x, W1)


def _tc1(h1, degT):
    return pl.pallas_call(
        _tc1_body,
        grid=(_GRID,),
        in_specs=[
            pl.BlockSpec((RB, D1), lambda b: (b, 0)),
            pl.BlockSpec((RB, 2), lambda b: (b, 0)),
        ],
        out_specs=pl.BlockSpec((RB, D1), lambda b: (b, 0)),
        out_shape=jax.ShapeDtypeStruct((N, D1), jnp.float32),
    )(h1, degT)


def _tc2(acc1, g1, degT, W2p):
    return pl.pallas_call(
        _tc2_body,
        grid=(_GRID,),
        in_specs=[
            pl.BlockSpec((NC, RB, D1), lambda b: (0, b, 0)),
            pl.BlockSpec((RB, D1), lambda b: (b, 0)),
            pl.BlockSpec((RB, 2), lambda b: (b, 0)),
            pl.BlockSpec((D1, D2), lambda b: (0, 0)),
        ],
        out_specs=pl.BlockSpec((RB, D2), lambda b: (b, 0)),
        out_shape=jax.ShapeDtypeStruct((N, D2), jnp.float32),
    )(acc1, g1, degT, W2p)


def _tc3(acc2, g2, degT):
    return pl.pallas_call(
        _tc3_body,
        grid=(_GRID,),
        in_specs=[
            pl.BlockSpec((NC, RB, D2), lambda b: (0, b, 0)),
            pl.BlockSpec((RB, D2), lambda b: (b, 0)),
            pl.BlockSpec((RB, 2), lambda b: (b, 0)),
        ],
        out_specs=[
            pl.BlockSpec((RB, 64), lambda b: (b, 0)),
            pl.BlockSpec((RB, 64), lambda b: (b, 0)),
            pl.BlockSpec((RB, 1), lambda b: (b, 0)),
        ],
        out_shape=[
            jax.ShapeDtypeStruct((N, 64), jnp.float32),
            jax.ShapeDtypeStruct((N, 64), jnp.float32),
            jax.ShapeDtypeStruct((N, 1), jnp.float32),
        ],
    )(acc2, g2, degT)


def kernel(x, edge_index, W1, W2, mask_rate=0):
    spread = np.arange(EP - E, dtype=np.int32) % 16
    srcp = jnp.concatenate([edge_index[0], jnp.asarray(spread)]).reshape(
        NC * NS, K, CH)
    dstp = jnp.concatenate([edge_index[1], jnp.asarray(N + spread)]).reshape(
        NC * NS, K, CH)
    z1d = jnp.zeros((NDEG,), jnp.float32)
    zd1 = jnp.zeros((NACC, D1), jnp.float32)
    W2p = jnp.pad(W2, ((0, 0), (0, D2 - W2.shape[1])))

    h1 = _tc0(x, W1)
    deg2 = _make_sc_degree()(dstp, z1d)
    degT = deg2.T[:N]
    g1 = _tc1(h1, degT)
    acc1 = _make_sc_scatter(D1, D1)(g1, srcp, dstp, zd1)
    g2 = _tc2(acc1, g1, degT, W2p)
    acc2 = _make_sc_scatter(D2, D2)(g2, srcp, dstp, zd1)
    z, lbd, kap = _tc3(acc2, g2, degT)
    return (z, lbd, kap)

# --- scband reference (transcript-rebuilt; emitter-appended) ---
"""Pipeline reference for scband-inf-net-13365938225801 (READ-ONLY COPY).

The authoritative reference and input builder live on the scoring server;
editing this copy changes nothing except your own understanding.
"""

import jax, jax.numpy as jnp
import numpy as np
from jax.scipy.special import gammaln

N_NODES = 10000
N_EDGES = 320000
IN_DIM = 128
HID1 = 128
HID2 = 65  # hid_dims[-1] + 1 = 64 + 1


def setup_inputs(seed: int = 0) -> dict:
    key = jax.random.key(seed)
    k1, k2, k3, k4 = jax.random.split(key, 4)
    x = jax.random.normal(k1, (N_NODES, IN_DIM), dtype=jnp.float32)
    edge_index = jax.random.randint(k2, (2, N_EDGES), 0, N_NODES, dtype=jnp.int32)
    # GCNConv weights (lin: F_in -> F_out, bias=False per gconv_bias=False)
    W1 = jax.random.normal(k3, (IN_DIM, HID1), dtype=jnp.float32) * 0.05
    W2 = jax.random.normal(k4, (HID1, HID2), dtype=jnp.float32) * 0.05
    return {"x": x, "edge_index": edge_index, "W1": W1, "W2": W2, "mask_rate": 0}


def _gcn_norm(edge_index, num_nodes, dtype):
    src = edge_index[0]
    dst = edge_index[1]
    loop = jnp.arange(num_nodes, dtype=src.dtype)
    src = jnp.concatenate([src, loop])
    dst = jnp.concatenate([dst, loop])
    deg = jnp.zeros((num_nodes,), dtype=dtype).at[dst].add(1.0)
    dinv = jnp.where(deg > 0, jax.lax.rsqrt(deg), 0.0)
    norm = (dinv[src] * dinv[dst])[:, None]
    return src, dst, norm


def _gcn_conv(x, src, dst, norm, W):
    h = x @ W
    msg = h[src] * norm
    out = jnp.zeros((x.shape[0], h.shape[1]), dtype=h.dtype).at[dst].add(msg)
    return out


def reference(x, edge_index, W1, W2, mask_rate=0):
    # eval mode: mask_rate=0 -> encoding_mask_node is an identity on x
    # (mask_nodes is None, dropout inactive, deterministic reparameterize)
    N = x.shape[0]
    src, dst, norm = _gcn_norm(edge_index, N, x.dtype)
    h = jax.nn.softplus(_gcn_conv(x, src, dst, norm, W1))
    h = jax.nn.softplus(_gcn_conv(h, src, dst, norm, W2))
    lbd = h[:, :-1]
    kappa = h[:, -1:] + 0.1
    # z = lbd * exp(lgamma(1 + kappa^{-1}))  (deterministic branch)
    z = lbd * jnp.exp(gammaln(1.0 + 1.0 / kappa))
    return (z, lbd, kappa)

if __name__ == "__main__":
    import jax
    _d = setup_inputs()
    print(jax.jit(kernel)(*tuple(_d.values())))

</pallas_src>

<mosaic_0001>
#map = affine_map<(d0, d1) -> (0, 0)>
#map1 = affine_map<(d0, d1) -> (0, 0, 0)>
module attributes {stable_mosaic.version = 14 : i64} {
  func.func @sc_scatter(%arg0: i32, %arg1: i32, %arg2: memref<10000x128xf32, #tpu.memory_space<hbm>>, %arg3: memref<32x80x128xi32, #tpu.memory_space<hbm>>, %arg4: memref<32x80x128xi32, #tpu.memory_space<hbm>>, %arg5: memref<10112x128xf32, #tpu.memory_space<hbm>>, %arg6: memref<2x10112x128xf32, #tpu.memory_space<hbm>>, %arg7: memref<80x128xi32, #tpu.memory_space<vmem>>, %arg8: memref<40x128xi32, #tpu.memory_space<vmem>>, %arg9: memref<2x128x128xf32, #tpu.memory_space<vmem>>, %arg10: memref<10112x128xf32, #tpu.memory_space<vmem_shared>>, %arg11: memref<!tpu.dma_semaphore, #tpu.memory_space<semaphore_mem>>, %arg12: memref<!tpu.dma_semaphore, #tpu.memory_space<semaphore_mem>>) attributes {dimension_semantics = [#tpu.dimension_semantics<core_parallel>, #tpu.dimension_semantics<subcore_parallel>], iteration_bounds = array<i64: 2, 16>, scalar_prefetch = 0 : i64, scratch_operands = 6 : i64, tpu.core_type = #tpu.core_type<sc_vector_subcore>, window_params = [{transform_indices = #map}, {transform_indices = #map1}, {transform_indices = #map1}, {transform_indices = #map}, {transform_indices = #map1}]} {
    %mul3A = arith.constant 16 : i32
    %mul3A_0 = arith.muli %arg0, %mul3A : i32
    %add3A = arith.addi %mul3A_0, %arg1 : i32
    %mul3A_1 = arith.constant 632 : i32
    %mul3A_2 = arith.muli %arg1, %mul3A_1 : i32
    %mul3A_3 = arith.constant 632 : i32
    %mul3A_4 = arith.muli %arg1, %mul3A_3 : i32
    "tpu.region"() ({
      %run_scoped3A = tpu.sem_alloc : memref<!tpu.dma_semaphore, #tpu.memory_space<semaphore_mem>>
      %dma_start3A_71 = arith.constant 0 : i32
      %dma_start3A_72 = tpu.memref_slice %arg10[%mul3A_4, %dma_start3A_71] : memref<10112x128xf32, #tpu.memory_space<vmem_shared>> -> memref<632x128xf32, #tpu.memory_space<vmem_shared>>
      %dma_start3A_73 = arith.constant 0 : i32
      %dma_start3A_74 = tpu.memref_slice %arg5[%mul3A_2, %dma_start3A_73] : memref<10112x128xf32, #tpu.memory_space<hbm>> -> memref<632x128xf32, #tpu.memory_space<hbm>>
      tpu.enqueue_dma source(%dma_start3A_74 : memref<632x128xf32, #tpu.memory_space<hbm>>) target(%dma_start3A_72 : memref<632x128xf32, #tpu.memory_space<vmem_shared>>) target_semaphore(%run_scoped3A : memref<!tpu.dma_semaphore, #tpu.memory_space<semaphore_mem>>)
      %dma_wait3A_75 = arith.constant 0 : i32
      %dma_wait3A_76 = tpu.memref_slice %arg10[%mul3A_4, %dma_wait3A_75] : memref<10112x128xf32, #tpu.memory_space<vmem_shared>> -> memref<632x128xf32, #tpu.memory_space<vmem_shared>>
      %dma_wait3A_77 = arith.constant 0 : i32
      %dma_wait3A_78 = tpu.memref_slice %arg5[%mul3A_2, %dma_wait3A_77] : memref<10112x128xf32, #tpu.memory_space<hbm>> -> memref<632x128xf32, #tpu.memory_space<hbm>>
      tpu.wait_dma2 semaphore(%run_scoped3A : memref<!tpu.dma_semaphore, #tpu.memory_space<semaphore_mem>>) src(%dma_wait3A_78 : memref<632x128xf32, #tpu.memory_space<hbm>>) dst(%dma_wait3A_76 : memref<632x128xf32, #tpu.memory_space<vmem_shared>>)
      tpu.yield
    }) : () -> ()
    "tpu.region"() ({
      %run_scoped3A = tpu.sem_alloc : memref<!tpu.dma_semaphore, #tpu.memory_space<semaphore_mem>>
      %dma_start3A_71 = arith.constant 0 : i32
      %dma_start3A_72 = arith.constant 0 : i32
      %dma_start3A_73 = tpu.memref_slice %arg3[%add3A, %dma_start3A_71, %dma_start3A_72] : memref<32x80x128xi32, #tpu.memory_space<hbm>> -> memref<1x80x128xi32, #tpu.memory_space<hbm>>
      %dma_start3A_74 = tpu.memref_squeeze %dma_start3A_73 : memref<1x80x128xi32, #tpu.memory_space<hbm>> -> memref<80x128xi32, #tpu.memory_space<hbm>>
      %dma_start3A_75 = arith.constant 0 : i32
      %dma_start3A_76 = arith.constant 0 : i32
      %dma_start3A_77 = tpu.memref_slice %arg3[%add3A, %dma_start3A_75, %dma_start3A_76] : memref<32x80x128xi32, #tpu.memory_space<hbm>> -> memref<1x80x128xi32, #tpu.memory_space<hbm>>
      %dma_start3A_78 = tpu.memref_squeeze %dma_start3A_77 : memref<1x80x128xi32, #tpu.memory_space<hbm>> -> memref<80x128xi32, #tpu.memory_space<hbm>>
      tpu.enqueue_dma source(%dma_start3A_78 : memref<80x128xi32, #tpu.memory_space<hbm>>) target(%arg7 : memref<80x128xi32, #tpu.memory_space<vmem>>) target_semaphore(%run_scoped3A : memref<!tpu.dma_semaphore, #tpu.memory_space<semaphore_mem>>)
      %dma_wait3A_79 = arith.constant 0 : i32
      %dma_wait3A_80 = arith.constant 0 : i32
      %dma_wait3A_81 = tpu.memref_slice %arg3[%add3A, %dma_wait3A_79, %dma_wait3A_80] : memref<32x80x128xi32, #tpu.memory_space<hbm>> -> memref<1x80x128xi32, #tpu.memory_space<hbm>>
      %dma_wait3A_82 = tpu.memref_squeeze %dma_wait3A_81 : memref<1x80x128xi32, #tpu.memory_space<hbm>> -> memref<80x128xi32, #tpu.memory_space<hbm>>
      %dma_wait3A_83 = arith.constant 0 : i32
      %dma_wait3A_84 = arith.constant 0 : i32
      %dma_wait3A_85 = tpu.memref_slice %arg3[%add3A, %dma_wait3A_83, %dma_wait3A_84] : memref<32x80x128xi32, #tpu.memory_space<hbm>> -> memref<1x80x128xi32, #tpu.memory_space<hbm>>
      %dma_wait3A_86 = tpu.memref_squeeze %dma_wait3A_85 : memref<1x80x128xi32, #tpu.memory_space<hbm>> -> memref<80x128xi32, #tpu.memory_space<hbm>>
      tpu.wait_dma2 semaphore(%run_scoped3A : memref<!tpu.dma_semaphore, #tpu.memory_space<semaphore_mem>>) src(%dma_wait3A_86 : memref<80x128xi32, #tpu.memory_space<hbm>>) dst(%arg7 : memref<80x128xi32, #tpu.memory_space<vmem>>)
      tpu.yield
    }) : () -> ()
    %barrier3A = arith.constant 0 : index
    tpu.barrier barrier_id(%barrier3A)
    "tpu.region"() ({
      %run_scoped3A = tpu.sem_alloc : memref<!tpu.dma_semaphore, #tpu.memory_space<semaphore_mem>>
      %dma_start3A_71 = arith.constant 0 : i32
      %dma_start3A_72 = arith.constant 0 : i32
      %dma_start3A_73 = tpu.memref_slice %arg4[%add3A, %dma_start3A_71, %dma_start3A_72] : memref<32x80x128xi32, #tpu.memory_space<hbm>> -> memref<1x40x128xi32, #tpu.memory_space<hbm>>
      %dma_start3A_74 = tpu.memref_squeeze %dma_start3A_73 : memref<1x40x128xi32, #tpu.memory_space<hbm>> -> memref<40x128xi32, #tpu.memory_space<hbm>>
      %dma_start3A_75 = arith.constant 0 : i32
      %dma_start3A_76 = arith.constant 0 : i32
      %dma_start3A_77 = tpu.memref_slice %arg4[%add3A, %dma_start3A_75, %dma_start3A_76] : memref<32x80x128xi32, #tpu.memory_space<hbm>> -> memref<1x40x128xi32, #tpu.memory_space<hbm>>
      %dma_start3A_78 = tpu.memref_squeeze %dma_start3A_77 : memref<1x40x128xi32, #tpu.memory_space<hbm>> -> memref<40x128xi32, #tpu.memory_space<hbm>>
      tpu.enqueue_dma source(%dma_start3A_78 : memref<40x128xi32, #tpu.memory_space<hbm>>) target(%arg8 : memref<40x128xi32, #tpu.memory_space<vmem>>) target_semaphore(%run_scoped3A : memref<!tpu.dma_semaphore, #tpu.memory_space<semaphore_mem>>)
      %dma_wait3A_79 = arith.constant 0 : i32
      %dma_wait3A_80 = arith.constant 0 : i32
      %dma_wait3A_81 = tpu.memref_slice %arg4[%add3A, %dma_wait3A_79, %dma_wait3A_80] : memref<32x80x128xi32, #tpu.memory_space<hbm>> -> memref<1x40x128xi32, #tpu.memory_space<hbm>>
      %dma_wait3A_82 = tpu.memref_squeeze %dma_wait3A_81 : memref<1x40x128xi32, #tpu.memory_space<hbm>> -> memref<40x128xi32, #tpu.memory_space<hbm>>
      %dma_wait3A_83 = arith.constant 0 : i32
      %dma_wait3A_84 = arith.constant 0 : i32
      %dma_wait3A_85 = tpu.memref_slice %arg4[%add3A, %dma_wait3A_83, %dma_wait3A_84] : memref<32x80x128xi32, #tpu.memory_space<hbm>> -> memref<1x40x128xi32, #tpu.memory_space<hbm>>
      %dma_wait3A_86 = tpu.memref_squeeze %dma_wait3A_85 : memref<1x40x128xi32, #tpu.memory_space<hbm>> -> memref<40x128xi32, #tpu.memory_space<hbm>>
      tpu.wait_dma2 semaphore(%run_scoped3A : memref<!tpu.dma_semaphore, #tpu.memory_space<semaphore_mem>>) src(%dma_wait3A_86 : memref<40x128xi32, #tpu.memory_space<hbm>>) dst(%arg8 : memref<40x128xi32, #tpu.memory_space<vmem>>)
      tpu.yield
    }) : () -> ()
    %dma_start3A = arith.constant 0 : i32
    %dma_start3A_5 = arith.constant 0 : i32
    %dma_start3A_6 = arith.constant 0 : i32
    %dma_start3A_7 = arith.constant 0 : i32
    %dma_start3A_8 = tpu.memref_slice %arg9[%dma_start3A_5, %dma_start3A_6, %dma_start3A_7] : memref<2x128x128xf32, #tpu.memory_space<vmem>> -> memref<1x128x128xf32, #tpu.memory_space<vmem>>
    %dma_start3A_9 = tpu.memref_squeeze %dma_start3A_8 : memref<1x128x128xf32, #tpu.memory_space<vmem>> -> memref<128x128xf32, #tpu.memory_space<vmem>>
    %dma_start3A_10 = arith.constant 0 : i32
    %dma_start3A_11 = tpu.memref_slice %arg7[%dma_start3A, %dma_start3A_10] : memref<80x128xi32, #tpu.memory_space<vmem>> -> memref<1x128xi32, #tpu.memory_space<vmem>>
    %dma_start3A_12 = tpu.memref_squeeze %dma_start3A_11 : memref<1x128xi32, #tpu.memory_space<vmem>> -> memref<128xi32, #tpu.memory_space<vmem>>
    %dma_start3A_13 = arith.constant 0 : i32
    %dma_start3A_14 = arith.constant 0 : i32
    %dma_start3A_15 = tpu.memref_slice %arg2[%dma_start3A_13, %dma_start3A_14] : memref<10000x128xf32, #tpu.memory_space<hbm>> -> memref<10000x128xf32, #tpu.memory_space<hbm>>
    tpu.enqueue_indirect_dma source(%dma_start3A_15 : memref<10000x128xf32, #tpu.memory_space<hbm>>) target(%dma_start3A_9 : memref<128x128xf32, #tpu.memory_space<vmem>>) offsets(%dma_start3A_12 : memref<128xi32, #tpu.memory_space<vmem>>) semaphore(%arg11 : memref<!tpu.dma_semaphore, #tpu.memory_space<semaphore_mem>>)
    %scan3A = arith.constant 0 : i32
    %scan3A_16 = arith.constant 1 : i32
    %scan3A_17 = arith.constant 0 : i32
    %scan3A_18 = arith.constant 0 : i32
    %scan3A_19 = arith.constant 20 : i32
    %scan3A_20 = arith.addi %scan3A_18, %scan3A_19 : i32
    %scan3A_21 = arith.constant 1 : i32
    scf.for %scan3A_71 = %scan3A_18 to %scan3A_20 step %scan3A_21  : i32 {
      %mul3A_72 = arith.constant 2 : i32
      %mul3A_73 = arith.muli %mul3A_72, %scan3A_71 : i32
      %add3A_74 = arith.constant 0 : i32
      %add3A_75 = arith.addi %add3A_74, %mul3A_73 : i32
      %ge3A = arith.constant 1 : i32
      %ge3A_76 = arith.cmpi sge, %scan3A_71, %ge3A : i32
      %convert_element_type3A = arith.extui %ge3A_76 : i1 to i32
      %cond3A = arith.constant 0 : i32
      %cond3A_77 = arith.cmpi ne, %convert_element_type3A, %cond3A : i32
      scf.if %cond3A_77 {
        %dma_wait3A_151 = arith.constant 0 : i32
        %dma_wait3A_152 = arith.constant 0 : i32
        %dma_wait3A_153 = arith.constant 0 : i32
        %dma_wait3A_154 = tpu.memref_slice %arg9[%scan3A_16, %dma_wait3A_152, %dma_wait3A_153] : memref<2x128x128xf32, #tpu.memory_space<vmem>> -> memref<1x128x128xf32, #tpu.memory_space<vmem>>
        %dma_wait3A_155 = tpu.memref_squeeze %dma_wait3A_154 : memref<1x128x128xf32, #tpu.memory_space<vmem>> -> memref<128x128xf32, #tpu.memory_space<vmem>>
        %dma_wait3A_156 = arith.constant 0 : i32
        %dma_wait3A_157 = tpu.memref_slice %arg8[%dma_wait3A_151, %dma_wait3A_156] : memref<40x128xi32, #tpu.memory_space<vmem>> -> memref<1x128xi32, #tpu.memory_space<vmem>>
        %dma_wait3A_158 = tpu.memref_squeeze %dma_wait3A_157 : memref<1x128xi32, #tpu.memory_space<vmem>> -> memref<128xi32, #tpu.memory_space<vmem>>
        %dma_wait3A_159 = arith.constant 0 : i32
        %dma_wait3A_160 = arith.constant 0 : i32
        %dma_wait3A_161 = tpu.memref_slice %arg10[%dma_wait3A_159, %dma_wait3A_160] : memref<10112x128xf32, #tpu.memory_space<vmem_shared>> -> memref<10112x128xf32, #tpu.memory_space<vmem_shared>>
        tpu.wait_indirect_dma semaphore(%arg12 : memref<!tpu.dma_semaphore, #tpu.memory_space<semaphore_mem>>) src(%dma_wait3A_155 : memref<128x128xf32, #tpu.memory_space<vmem>>) dst(%dma_wait3A_161 : memref<10112x128xf32, #tpu.memory_space<vmem_shared>>)
      } else {
      }
      %add3A_78 = arith.constant 1 : i32
      %add3A_79 = arith.addi %add3A_75, %add3A_78 : i32
      %dma_start3A_80 = arith.constant 0 : i32
      %dma_start3A_81 = arith.constant 0 : i32
      %dma_start3A_82 = tpu.memref_slice %arg9[%scan3A_16, %dma_start3A_80, %dma_start3A_81] : memref<2x128x128xf32, #tpu.memory_space<vmem>> -> memref<1x128x128xf32, #tpu.memory_space<vmem>>
      %dma_start3A_83 = tpu.memref_squeeze %dma_start3A_82 : memref<1x128x128xf32, #tpu.memory_space<vmem>> -> memref<128x128xf32, #tpu.memory_space<vmem>>
      %dma_start3A_84 = arith.constant 0 : i32
      %dma_start3A_85 = tpu.memref_slice %arg7[%add3A_79, %dma_start3A_84] : memref<80x128xi32, #tpu.memory_space<vmem>> -> memref<1x128xi32, #tpu.memory_space<vmem>>
      %dma_start3A_86 = tpu.memref_squeeze %dma_start3A_85 : memref<1x128xi32, #tpu.memory_space<vmem>> -> memref<128xi32, #tpu.memory_space<vmem>>
      %dma_start3A_87 = arith.constant 0 : i32
      %dma_start3A_88 = arith.constant 0 : i32
      %dma_start3A_89 = tpu.memref_slice %arg2[%dma_start3A_87, %dma_start3A_88] : memref<10000x128xf32, #tpu.memory_space<hbm>> -> memref<10000x128xf32, #tpu.memory_space<hbm>>
      tpu.enqueue_indirect_dma source(%dma_start3A_89 : memref<10000x128xf32, #tpu.memory_space<hbm>>) target(%dma_start3A_83 : memref<128x128xf32, #tpu.memory_space<vmem>>) offsets(%dma_start3A_86 : memref<128xi32, #tpu.memory_space<vmem>>) semaphore(%arg11 : memref<!tpu.dma_semaphore, #tpu.memory_space<semaphore_mem>>)
      %dma_wait3A_90 = arith.constant 0 : i32
      %dma_wait3A_91 = arith.constant 0 : i32
      %dma_wait3A_92 = arith.constant 0 : i32
      %dma_wait3A_93 = tpu.memref_slice %arg9[%scan3A_17, %dma_wait3A_91, %dma_wait3A_92] : memref<2x128x128xf32, #tpu.memory_space<vmem>> -> memref<1x128x128xf32, #tpu.memory_space<vmem>>
      %dma_wait3A_94 = tpu.memref_squeeze %dma_wait3A_93 : memref<1x128x128xf32, #tpu.memory_space<vmem>> -> memref<128x128xf32, #tpu.memory_space<vmem>>
      %dma_wait3A_95 = arith.constant 0 : i32
      %dma_wait3A_96 = tpu.memref_slice %arg7[%dma_wait3A_90, %dma_wait3A_95] : memref<80x128xi32, #tpu.memory_space<vmem>> -> memref<1x128xi32, #tpu.memory_space<vmem>>
      %dma_wait3A_97 = tpu.memref_squeeze %dma_wait3A_96 : memref<1x128xi32, #tpu.memory_space<vmem>> -> memref<128xi32, #tpu.memory_space<vmem>>
      %dma_wait3A_98 = arith.constant 0 : i32
      %dma_wait3A_99 = arith.constant 0 : i32
      %dma_wait3A_100 = tpu.memref_slice %arg2[%dma_wait3A_98, %dma_wait3A_99] : memref<10000x128xf32, #tpu.memory_space<hbm>> -> memref<10000x128xf32, #tpu.memory_space<hbm>>
      tpu.wait_indirect_dma semaphore(%arg11 : memref<!tpu.dma_semaphore, #tpu.memory_space<semaphore_mem>>) src(%dma_wait3A_100 : memref<10000x128xf32, #tpu.memory_space<hbm>>) dst(%dma_wait3A_94 : memref<128x128xf32, #tpu.memory_space<vmem>>)
      %dma_start3A_101 = arith.constant 0 : i32
      %dma_start3A_102 = arith.constant 0 : i32
      %dma_start3A_103 = tpu.memref_slice %arg9[%scan3A_17, %dma_start3A_101, %dma_start3A_102] : memref<2x128x128xf32, #tpu.memory_space<vmem>> -> memref<1x128x128xf32, #tpu.memory_space<vmem>>
      %dma_start3A_104 = tpu.memref_squeeze %dma_start3A_103 : memref<1x128x128xf32, #tpu.memory_space<vmem>> -> memref<128x128xf32, #tpu.memory_space<vmem>>
      %dma_start3A_105 = arith.constant 0 : i32
      %dma_start3A_106 = tpu.memref_slice %arg8[%mul3A_73, %dma_start3A_105] : memref<40x128xi32, #tpu.memory_space<vmem>> -> memref<1x128xi32, #tpu.memory_space<vmem>>
      %dma_start3A_107 = tpu.memref_squeeze %dma_start3A_106 : memref<1x128xi32, #tpu.memory_space<vmem>> -> memref<128xi32, #tpu.memory_space<vmem>>
      %dma_start3A_108 = arith.constant 0 : i32
      %dma_start3A_109 = arith.constant 0 : i32
      %dma_start3A_110 = tpu.memref_slice %arg10[%dma_start3A_108, %dma_start3A_109] : memref<10112x128xf32, #tpu.memory_space<vmem_shared>> -> memref<10112x128xf32, #tpu.memory_space<vmem_shared>>
      tpu.enqueue_indirect_dma source(%dma_start3A_104 : memref<128x128xf32, #tpu.memory_space<vmem>>) target(%dma_start3A_110 : memref<10112x128xf32, #tpu.memory_space<vmem_shared>>) offsets(%dma_start3A_107 : memref<128xi32, #tpu.memory_space<vmem>>) semaphore(%arg12 : memref<!tpu.dma_semaphore, #tpu.memory_space<semaphore_mem>>) {add = true}
      %dma_wait3A_111 = arith.constant 0 : i32
      %dma_wait3A_112 = arith.constant 0 : i32
      %dma_wait3A_113 = arith.constant 0 : i32
      %dma_wait3A_114 = tpu.memref_slice %arg9[%scan3A_17, %dma_wait3A_112, %dma_wait3A_113] : memref<2x128x128xf32, #tpu.memory_space<vmem>> -> memref<1x128x128xf32, #tpu.memory_space<vmem>>
      %dma_wait3A_115 = tpu.memref_squeeze %dma_wait3A_114 : memref<1x128x128xf32, #tpu.memory_space<vmem>> -> memref<128x128xf32, #tpu.memory_space<vmem>>
      %dma_wait3A_116 = arith.constant 0 : i32
      %dma_wait3A_117 = tpu.memref_slice %arg8[%dma_wait3A_111, %dma_wait3A_116] : memref<40x128xi32, #tpu.memory_space<vmem>> -> memref<1x128xi32, #tpu.memory_space<vmem>>
      %dma_wait3A_118 = tpu.memref_squeeze %dma_wait3A_117 : memref<1x128xi32, #tpu.memory_space<vmem>> -> memref<128xi32, #tpu.memory_space<vmem>>
      %dma_wait3A_119 = arith.constant 0 : i32
      %dma_wait3A_120 = arith.constant 0 : i32
      %dma_wait3A_121 = tpu.memref_slice %arg10[%dma_wait3A_119, %dma_wait3A_120] : memref<10112x128xf32, #tpu.memory_space<vmem_shared>> -> memref<10112x128xf32, #tpu.memory_space<vmem_shared>>
      tpu.wait_indirect_dma semaphore(%arg12 : memref<!tpu.dma_semaphore, #tpu.memory_space<semaphore_mem>>) src(%dma_wait3A_115 : memref<128x128xf32, #tpu.memory_space<vmem>>) dst(%dma_wait3A_121 : memref<10112x128xf32, #tpu.memory_space<vmem_shared>>)
      %add3A_122 = arith.constant 1 : i32
      %add3A_123 = arith.addi %scan3A_71, %add3A_122 : i32
      %lt3A = arith.constant 20 : i32
      %lt3A_124 = arith.cmpi slt, %add3A_123, %lt3A : i32
      %convert_element_type3A_125 = arith.extui %lt3A_124 : i1 to i32
      %cond3A_126 = arith.constant 0 : i32
      %cond3A_127 = arith.cmpi ne, %convert_element_type3A_125, %cond3A_126 : i32
      scf.if %cond3A_127 {
        %add3A_151 = arith.constant 2 : i32
        %add3A_152 = arith.addi %add3A_75, %add3A_151 : i32
        %dma_start3A_153 = arith.constant 0 : i32
        %dma_start3A_154 = arith.constant 0 : i32
        %dma_start3A_155 = tpu.memref_slice %arg9[%scan3A_17, %dma_start3A_153, %dma_start3A_154] : memref<2x128x128xf32, #tpu.memory_space<vmem>> -> memref<1x128x128xf32, #tpu.memory_space<vmem>>
        %dma_start3A_156 = tpu.memref_squeeze %dma_start3A_155 : memref<1x128x128xf32, #tpu.memory_space<vmem>> -> memref<128x128xf32, #tpu.memory_space<vmem>>
        %dma_start3A_157 = arith.constant 0 : i32
        %dma_start3A_158 = tpu.memref_slice %arg7[%add3A_152, %dma_start3A_157] : memref<80x128xi32, #tpu.memory_space<vmem>> -> memref<1x128xi32, #tpu.memory_space<vmem>>
        %dma_start3A_159 = tpu.memref_squeeze %dma_start3A_158 : memref<1x128xi32, #tpu.memory_space<vmem>> -> memref<128xi32, #tpu.memory_space<vmem>>
        %dma_start3A_160 = arith.constant 0 : i32
        %dma_start3A_161 = arith.constant 0 : i32
        %dma_start3A_162 = tpu.memref_slice %arg2[%dma_start3A_160, %dma_start3A_161] : memref<10000x128xf32, #tpu.memory_space<hbm>> -> memref<10000x128xf32, #tpu.memory_space<hbm>>
        tpu.enqueue_indirect_dma source(%dma_start3A_162 : memref<10000x128xf32, #tpu.memory_space<hbm>>) target(%dma_start3A_156 : memref<128x128xf32, #tpu.memory_space<vmem>>) offsets(%dma_start3A_159 : memref<128xi32, #tpu.memory_space<vmem>>) semaphore(%arg11 : memref<!tpu.dma_semaphore, #tpu.memory_space<semaphore_mem>>)
      } else {
      }
      %dma_wait3A_128 = arith.constant 0 : i32
      %dma_wait3A_129 = arith.constant 0 : i32
      %dma_wait3A_130 = arith.constant 0 : i32
      %dma_wait3A_131 = tpu.memref_slice %arg9[%scan3A_16, %dma_wait3A_129, %dma_wait3A_130] : memref<2x128x128xf32, #tpu.memory_space<vmem>> -> memref<1x128x128xf32, #tpu.memory_space<vmem>>
      %dma_wait3A_132 = tpu.memref_squeeze %dma_wait3A_131 : memref<1x128x128xf32, #tpu.memory_space<vmem>> -> memref<128x128xf32, #tpu.memory_space<vmem>>
      %dma_wait3A_133 = arith.constant 0 : i32
      %dma_wait3A_134 = tpu.memref_slice %arg7[%dma_wait3A_128, %dma_wait3A_133] : memref<80x128xi32, #tpu.memory_space<vmem>> -> memref<1x128xi32, #tpu.memory_space<vmem>>
      %dma_wait3A_135 = tpu.memref_squeeze %dma_wait3A_134 : memref<1x128xi32, #tpu.memory_space<vmem>> -> memref<128xi32, #tpu.memory_space<vmem>>
      %dma_wait3A_136 = arith.constant 0 : i32
      %dma_wait3A_137 = arith.constant 0 : i32
      %dma_wait3A_138 = tpu.memref_slice %arg2[%dma_wait3A_136, %dma_wait3A_137] : memref<10000x128xf32, #tpu.memory_space<hbm>> -> memref<10000x128xf32, #tpu.memory_space<hbm>>
      tpu.wait_indirect_dma semaphore(%arg11 : memref<!tpu.dma_semaphore, #tpu.memory_space<semaphore_mem>>) src(%dma_wait3A_138 : memref<10000x128xf32, #tpu.memory_space<hbm>>) dst(%dma_wait3A_132 : memref<128x128xf32, #tpu.memory_space<vmem>>)
      %add3A_139 = arith.constant 1 : i32
      %add3A_140 = arith.addi %mul3A_73, %add3A_139 : i32
      %dma_start3A_141 = arith.constant 0 : i32
      %dma_start3A_142 = arith.constant 0 : i32
      %dma_start3A_143 = tpu.memref_slice %arg9[%scan3A_16, %dma_start3A_141, %dma_start3A_142] : memref<2x128x128xf32, #tpu.memory_space<vmem>> -> memref<1x128x128xf32, #tpu.memory_space<vmem>>
      %dma_start3A_144 = tpu.memref_squeeze %dma_start3A_143 : memref<1x128x128xf32, #tpu.memory_space<vmem>> -> memref<128x128xf32, #tpu.memory_space<vmem>>
      %dma_start3A_145 = arith.constant 0 : i32
      %dma_start3A_146 = tpu.memref_slice %arg8[%add3A_140, %dma_start3A_145] : memref<40x128xi32, #tpu.memory_space<vmem>> -> memref<1x128xi32, #tpu.memory_space<vmem>>
      %dma_start3A_147 = tpu.memref_squeeze %dma_start3A_146 : memref<1x128xi32, #tpu.memory_space<vmem>> -> memref<128xi32, #tpu.memory_space<vmem>>
      %dma_start3A_148 = arith.constant 0 : i32
      %dma_start3A_149 = arith.constant 0 : i32
      %dma_start3A_150 = tpu.memref_slice %arg10[%dma_start3A_148, %dma_start3A_149] : memref<10112x128xf32, #tpu.memory_space<vmem_shared>> -> memref<10112x128xf32, #tpu.memory_space<vmem_shared>>
      tpu.enqueue_indirect_dma source(%dma_start3A_144 : memref<128x128xf32, #tpu.memory_space<vmem>>) target(%dma_start3A_150 : memref<10112x128xf32, #tpu.memory_space<vmem_shared>>) offsets(%dma_start3A_147 : memref<128xi32, #tpu.memory_space<vmem>>) semaphore(%arg12 : memref<!tpu.dma_semaphore, #tpu.memory_space<semaphore_mem>>) {add = true}
    }
    %scan3A_22 = arith.constant 20 : i32
    %dma_wait3A = arith.constant 1 : i32
    %dma_wait3A_23 = arith.constant 0 : i32
    %dma_wait3A_24 = arith.constant 0 : i32
    %dma_wait3A_25 = arith.constant 0 : i32
    %dma_wait3A_26 = tpu.memref_slice %arg9[%dma_wait3A, %dma_wait3A_24, %dma_wait3A_25] : memref<2x128x128xf32, #tpu.memory_space<vmem>> -> memref<1x128x128xf32, #tpu.memory_space<vmem>>
    %dma_wait3A_27 = tpu.memref_squeeze %dma_wait3A_26 : memref<1x128x128xf32, #tpu.memory_space<vmem>> -> memref<128x128xf32, #tpu.memory_space<vmem>>
    %dma_wait3A_28 = arith.constant 0 : i32
    %dma_wait3A_29 = tpu.memref_slice %arg8[%dma_wait3A_23, %dma_wait3A_28] : memref<40x128xi32, #tpu.memory_space<vmem>> -> memref<1x128xi32, #tpu.memory_space<vmem>>
    %dma_wait3A_30 = tpu.memref_squeeze %dma_wait3A_29 : memref<1x128xi32, #tpu.memory_space<vmem>> -> memref<128xi32, #tpu.memory_space<vmem>>
    %dma_wait3A_31 = arith.constant 0 : i32
    %dma_wait3A_32 = arith.constant 0 : i32
    %dma_wait3A_33 = tpu.memref_slice %arg10[%dma_wait3A_31, %dma_wait3A_32] : memref<10112x128xf32, #tpu.memory_space<vmem_shared>> -> memref<10112x128xf32, #tpu.memory_space<vmem_shared>>
    tpu.wait_indirect_dma semaphore(%arg12 : memref<!tpu.dma_semaphore, #tpu.memory_space<semaphore_mem>>) src(%dma_wait3A_27 : memref<128x128xf32, #tpu.memory_space<vmem>>) dst(%dma_wait3A_33 : memref<10112x128xf32, #tpu.memory_space<vmem_shared>>)
    "tpu.region"() ({
      %run_scoped3A = tpu.sem_alloc : memref<!tpu.dma_semaphore, #tpu.memory_space<semaphore_mem>>
      %dma_start3A_71 = arith.constant 40 : i32
      %dma_start3A_72 = arith.constant 0 : i32
      %dma_start3A_73 = tpu.memref_slice %arg4[%add3A, %dma_start3A_71, %dma_start3A_72] : memref<32x80x128xi32, #tpu.memory_space<hbm>> -> memref<1x40x128xi32, #tpu.memory_space<hbm>>
      %dma_start3A_74 = tpu.memref_squeeze %dma_start3A_73 : memref<1x40x128xi32, #tpu.memory_space<hbm>> -> memref<40x128xi32, #tpu.memory_space<hbm>>
      %dma_start3A_75 = arith.constant 40 : i32
      %dma_start3A_76 = arith.constant 0 : i32
      %dma_start3A_77 = tpu.memref_slice %arg4[%add3A, %dma_start3A_75, %dma_start3A_76] : memref<32x80x128xi32, #tpu.memory_space<hbm>> -> memref<1x40x128xi32, #tpu.memory_space<hbm>>
      %dma_start3A_78 = tpu.memref_squeeze %dma_start3A_77 : memref<1x40x128xi32, #tpu.memory_space<hbm>> -> memref<40x128xi32, #tpu.memory_space<hbm>>
      tpu.enqueue_dma source(%dma_start3A_78 : memref<40x128xi32, #tpu.memory_space<hbm>>) target(%arg8 : memref<40x128xi32, #tpu.memory_space<vmem>>) target_semaphore(%run_scoped3A : memref<!tpu.dma_semaphore, #tpu.memory_space<semaphore_mem>>)
      %dma_wait3A_79 = arith.constant 40 : i32
      %dma_wait3A_80 = arith.constant 0 : i32
      %dma_wait3A_81 = tpu.memref_slice %arg4[%add3A, %dma_wait3A_79, %dma_wait3A_80] : memref<32x80x128xi32, #tpu.memory_space<hbm>> -> memref<1x40x128xi32, #tpu.memory_space<hbm>>
      %dma_wait3A_82 = tpu.memref_squeeze %dma_wait3A_81 : memref<1x40x128xi32, #tpu.memory_space<hbm>> -> memref<40x128xi32, #tpu.memory_space<hbm>>
      %dma_wait3A_83 = arith.constant 40 : i32
      %dma_wait3A_84 = arith.constant 0 : i32
      %dma_wait3A_85 = tpu.memref_slice %arg4[%add3A, %dma_wait3A_83, %dma_wait3A_84] : memref<32x80x128xi32, #tpu.memory_space<hbm>> -> memref<1x40x128xi32, #tpu.memory_space<hbm>>
      %dma_wait3A_86 = tpu.memref_squeeze %dma_wait3A_85 : memref<1x40x128xi32, #tpu.memory_space<hbm>> -> memref<40x128xi32, #tpu.memory_space<hbm>>
      tpu.wait_dma2 semaphore(%run_scoped3A : memref<!tpu.dma_semaphore, #tpu.memory_space<semaphore_mem>>) src(%dma_wait3A_86 : memref<40x128xi32, #tpu.memory_space<hbm>>) dst(%arg8 : memref<40x128xi32, #tpu.memory_space<vmem>>)
      tpu.yield
    }) : () -> ()
    %dma_start3A_34 = arith.constant 40 : i32
    %dma_start3A_35 = arith.constant 0 : i32
    %dma_start3A_36 = arith.constant 0 : i32
    %dma_start3A_37 = arith.constant 0 : i32
    %dma_start3A_38 = tpu.memref_slice %arg9[%dma_start3A_35, %dma_start3A_36, %dma_start3A_37] : memref<2x128x128xf32, #tpu.memory_space<vmem>> -> memref<1x128x128xf32, #tpu.memory_space<vmem>>
    %dma_start3A_39 = tpu.memref_squeeze %dma_start3A_38 : memref<1x128x128xf32, #tpu.memory_space<vmem>> -> memref<128x128xf32, #tpu.memory_space<vmem>>
    %dma_start3A_40 = arith.constant 0 : i32
    %dma_start3A_41 = tpu.memref_slice %arg7[%dma_start3A_34, %dma_start3A_40] : memref<80x128xi32, #tpu.memory_space<vmem>> -> memref<1x128xi32, #tpu.memory_space<vmem>>
    %dma_start3A_42 = tpu.memref_squeeze %dma_start3A_41 : memref<1x128xi32, #tpu.memory_space<vmem>> -> memref<128xi32, #tpu.memory_space<vmem>>
    %dma_start3A_43 = arith.constant 0 : i32
    %dma_start3A_44 = arith.constant 0 : i32
    %dma_start3A_45 = tpu.memref_slice %arg2[%dma_start3A_43, %dma_start3A_44] : memref<10000x128xf32, #tpu.memory_space<hbm>> -> memref<10000x128xf32, #tpu.memory_space<hbm>>
    tpu.enqueue_indirect_dma source(%dma_start3A_45 : memref<10000x128xf32, #tpu.memory_space<hbm>>) target(%dma_start3A_39 : memref<128x128xf32, #tpu.memory_space<vmem>>) offsets(%dma_start3A_42 : memref<128xi32, #tpu.memory_space<vmem>>) semaphore(%arg11 : memref<!tpu.dma_semaphore, #tpu.memory_space<semaphore_mem>>)
    %scan3A_46 = arith.constant 0 : i32
    %scan3A_47 = arith.constant 1 : i32
    %scan3A_48 = arith.constant 0 : i32
    %scan3A_49 = arith.constant 0 : i32
    %scan3A_50 = arith.constant 20 : i32
    %scan3A_51 = arith.addi %scan3A_49, %scan3A_50 : i32
    %scan3A_52 = arith.constant 1 : i32
    scf.for %scan3A_71 = %scan3A_49 to %scan3A_51 step %scan3A_52  : i32 {
      %mul3A_72 = arith.constant 2 : i32
      %mul3A_73 = arith.muli %mul3A_72, %scan3A_71 : i32
      %add3A_74 = arith.constant 40 : i32
      %add3A_75 = arith.addi %add3A_74, %mul3A_73 : i32
      %ge3A = arith.constant 1 : i32
      %ge3A_76 = arith.cmpi sge, %scan3A_71, %ge3A : i32
      %convert_element_type3A = arith.extui %ge3A_76 : i1 to i32
      %cond3A = arith.constant 0 : i32
      %cond3A_77 = arith.cmpi ne, %convert_element_type3A, %cond3A : i32
      scf.if %cond3A_77 {
        %dma_wait3A_151 = arith.constant 0 : i32
        %dma_wait3A_152 = arith.constant 0 : i32
        %dma_wait3A_153 = arith.constant 0 : i32
        %dma_wait3A_154 = tpu.memref_slice %arg9[%scan3A_47, %dma_wait3A_152, %dma_wait3A_153] : memref<2x128x128xf32, #tpu.memory_space<vmem>> -> memref<1x128x128xf32, #tpu.memory_space<vmem>>
        %dma_wait3A_155 = tpu.memref_squeeze %dma_wait3A_154 : memref<1x128x128xf32, #tpu.memory_space<vmem>> -> memref<128x128xf32, #tpu.memory_space<vmem>>
        %dma_wait3A_156 = arith.constant 0 : i32
        %dma_wait3A_157 = tpu.memref_slice %arg8[%dma_wait3A_151, %dma_wait3A_156] : memref<40x128xi32, #tpu.memory_space<vmem>> -> memref<1x128xi32, #tpu.memory_space<vmem>>
        %dma_wait3A_158 = tpu.memref_squeeze %dma_wait3A_157 : memref<1x128xi32, #tpu.memory_space<vmem>> -> memref<128xi32, #tpu.memory_space<vmem>>
        %dma_wait3A_159 = arith.constant 0 : i32
        %dma_wait3A_160 = arith.constant 0 : i32
        %dma_wait3A_161 = tpu.memref_slice %arg10[%dma_wait3A_159, %dma_wait3A_160] : memref<10112x128xf32, #tpu.memory_space<vmem_shared>> -> memref<10112x128xf32, #tpu.memory_space<vmem_shared>>
        tpu.wait_indirect_dma semaphore(%arg12 : memref<!tpu.dma_semaphore, #tpu.memory_space<semaphore_mem>>) src(%dma_wait3A_155 : memref<128x128xf32, #tpu.memory_space<vmem>>) dst(%dma_wait3A_161 : memref<10112x128xf32, #tpu.memory_space<vmem_shared>>)
      } else {
      }
      %add3A_78 = arith.constant 1 : i32
      %add3A_79 = arith.addi %add3A_75, %add3A_78 : i32
      %dma_start3A_80 = arith.constant 0 : i32
      %dma_start3A_81 = arith.constant 0 : i32
      %dma_start3A_82 = tpu.memref_slice %arg9[%scan3A_47, %dma_start3A_80, %dma_start3A_81] : memref<2x128x128xf32, #tpu.memory_space<vmem>> -> memref<1x128x128xf32, #tpu.memory_space<vmem>>
      %dma_start3A_83 = tpu.memref_squeeze %dma_start3A_82 : memref<1x128x128xf32, #tpu.memory_space<vmem>> -> memref<128x128xf32, #tpu.memory_space<vmem>>
      %dma_start3A_84 = arith.constant 0 : i32
      %dma_start3A_85 = tpu.memref_slice %arg7[%add3A_79, %dma_start3A_84] : memref<80x128xi32, #tpu.memory_space<vmem>> -> memref<1x128xi32, #tpu.memory_space<vmem>>
      %dma_start3A_86 = tpu.memref_squeeze %dma_start3A_85 : memref<1x128xi32, #tpu.memory_space<vmem>> -> memref<128xi32, #tpu.memory_space<vmem>>
      %dma_start3A_87 = arith.constant 0 : i32
      %dma_start3A_88 = arith.constant 0 : i32
      %dma_start3A_89 = tpu.memref_slice %arg2[%dma_start3A_87, %dma_start3A_88] : memref<10000x128xf32, #tpu.memory_space<hbm>> -> memref<10000x128xf32, #tpu.memory_space<hbm>>
      tpu.enqueue_indirect_dma source(%dma_start3A_89 : memref<10000x128xf32, #tpu.memory_space<hbm>>) target(%dma_start3A_83 : memref<128x128xf32, #tpu.memory_space<vmem>>) offsets(%dma_start3A_86 : memref<128xi32, #tpu.memory_space<vmem>>) semaphore(%arg11 : memref<!tpu.dma_semaphore, #tpu.memory_space<semaphore_mem>>)
      %dma_wait3A_90 = arith.constant 0 : i32
      %dma_wait3A_91 = arith.constant 0 : i32
      %dma_wait3A_92 = arith.constant 0 : i32
      %dma_wait3A_93 = tpu.memref_slice %arg9[%scan3A_48, %dma_wait3A_91, %dma_wait3A_92] : memref<2x128x128xf32, #tpu.memory_space<vmem>> -> memref<1x128x128xf32, #tpu.memory_space<vmem>>
      %dma_wait3A_94 = tpu.memref_squeeze %dma_wait3A_93 : memref<1x128x128xf32, #tpu.memory_space<vmem>> -> memref<128x128xf32, #tpu.memory_space<vmem>>
      %dma_wait3A_95 = arith.constant 0 : i32
      %dma_wait3A_96 = tpu.memref_slice %arg7[%dma_wait3A_90, %dma_wait3A_95] : memref<80x128xi32, #tpu.memory_space<vmem>> -> memref<1x128xi32, #tpu.memory_space<vmem>>
      %dma_wait3A_97 = tpu.memref_squeeze %dma_wait3A_96 : memref<1x128xi32, #tpu.memory_space<vmem>> -> memref<128xi32, #tpu.memory_space<vmem>>
      %dma_wait3A_98 = arith.constant 0 : i32
      %dma_wait3A_99 = arith.constant 0 : i32
      %dma_wait3A_100 = tpu.memref_slice %arg2[%dma_wait3A_98, %dma_wait3A_99] : memref<10000x128xf32, #tpu.memory_space<hbm>> -> memref<10000x128xf32, #tpu.memory_space<hbm>>
      tpu.wait_indirect_dma semaphore(%arg11 : memref<!tpu.dma_semaphore, #tpu.memory_space<semaphore_mem>>) src(%dma_wait3A_100 : memref<10000x128xf32, #tpu.memory_space<hbm>>) dst(%dma_wait3A_94 : memref<128x128xf32, #tpu.memory_space<vmem>>)
      %dma_start3A_101 = arith.constant 0 : i32
      %dma_start3A_102 = arith.constant 0 : i32
      %dma_start3A_103 = tpu.memref_slice %arg9[%scan3A_48, %dma_start3A_101, %dma_start3A_102] : memref<2x128x128xf32, #tpu.memory_space<vmem>> -> memref<1x128x128xf32, #tpu.memory_space<vmem>>
      %dma_start3A_104 = tpu.memref_squeeze %dma_start3A_103 : memref<1x128x128xf32, #tpu.memory_space<vmem>> -> memref<128x128xf32, #tpu.memory_space<vmem>>
      %dma_start3A_105 = arith.constant 0 : i32
      %dma_start3A_106 = tpu.memref_slice %arg8[%mul3A_73, %dma_start3A_105] : memref<40x128xi32, #tpu.memory_space<vmem>> -> memref<1x128xi32, #tpu.memory_space<vmem>>
      %dma_start3A_107 = tpu.memref_squeeze %dma_start3A_106 : memref<1x128xi32, #tpu.memory_space<vmem>> -> memref<128xi32, #tpu.memory_space<vmem>>
      %dma_start3A_108 = arith.constant 0 : i32
      %dma_start3A_109 = arith.constant 0 : i32
      %dma_start3A_110 = tpu.memref_slice %arg10[%dma_start3A_108, %dma_start3A_109] : memref<10112x128xf32, #tpu.memory_space<vmem_shared>> -> memref<10112x128xf32, #tpu.memory_space<vmem_shared>>
      tpu.enqueue_indirect_dma source(%dma_start3A_104 : memref<128x128xf32, #tpu.memory_space<vmem>>) target(%dma_start3A_110 : memref<10112x128xf32, #tpu.memory_space<vmem_shared>>) offsets(%dma_start3A_107 : memref<128xi32, #tpu.memory_space<vmem>>) semaphore(%arg12 : memref<!tpu.dma_semaphore, #tpu.memory_space<semaphore_mem>>) {add = true}
      %dma_wait3A_111 = arith.constant 0 : i32
      %dma_wait3A_112 = arith.constant 0 : i32
      %dma_wait3A_113 = arith.constant 0 : i32
      %dma_wait3A_114 = tpu.memref_slice %arg9[%scan3A_48, %dma_wait3A_112, %dma_wait3A_113] : memref<2x128x128xf32, #tpu.memory_space<vmem>> -> memref<1x128x128xf32, #tpu.memory_space<vmem>>
      %dma_wait3A_115 = tpu.memref_squeeze %dma_wait3A_114 : memref<1x128x128xf32, #tpu.memory_space<vmem>> -> memref<128x128xf32, #tpu.memory_space<vmem>>
      %dma_wait3A_116 = arith.constant 0 : i32
      %dma_wait3A_117 = tpu.memref_slice %arg8[%dma_wait3A_111, %dma_wait3A_116] : memref<40x128xi32, #tpu.memory_space<vmem>> -> memref<1x128xi32, #tpu.memory_space<vmem>>
      %dma_wait3A_118 = tpu.memref_squeeze %dma_wait3A_117 : memref<1x128xi32, #tpu.memory_space<vmem>> -> memref<128xi32, #tpu.memory_space<vmem>>
      %dma_wait3A_119 = arith.constant 0 : i32
      %dma_wait3A_120 = arith.constant 0 : i32
      %dma_wait3A_121 = tpu.memref_slice %arg10[%dma_wait3A_119, %dma_wait3A_120] : memref<10112x128xf32, #tpu.memory_space<vmem_shared>> -> memref<10112x128xf32, #tpu.memory_space<vmem_shared>>
      tpu.wait_indirect_dma semaphore(%arg12 : memref<!tpu.dma_semaphore, #tpu.memory_space<semaphore_mem>>) src(%dma_wait3A_115 : memref<128x128xf32, #tpu.memory_space<vmem>>) dst(%dma_wait3A_121 : memref<10112x128xf32, #tpu.memory_space<vmem_shared>>)
      %add3A_122 = arith.constant 1 : i32
      %add3A_123 = arith.addi %scan3A_71, %add3A_122 : i32
      %lt3A = arith.constant 20 : i32
      %lt3A_124 = arith.cmpi slt, %add3A_123, %lt3A : i32
      %convert_element_type3A_125 = arith.extui %lt3A_124 : i1 to i32
      %cond3A_126 = arith.constant 0 : i32
      %cond3A_127 = arith.cmpi ne, %convert_element_type3A_125, %cond3A_126 : i32
      scf.if %cond3A_127 {
        %add3A_151 = arith.constant 2 : i32
        %add3A_152 = arith.addi %add3A_75, %add3A_151 : i32
        %dma_start3A_153 = arith.constant 0 : i32
        %dma_start3A_154 = arith.constant 0 : i32
        %dma_start3A_155 = tpu.memref_slice %arg9[%scan3A_48, %dma_start3A_153, %dma_start3A_154] : memref<2x128x128xf32, #tpu.memory_space<vmem>> -> memref<1x128x128xf32, #tpu.memory_space<vmem>>
        %dma_start3A_156 = tpu.memref_squeeze %dma_start3A_155 : memref<1x128x128xf32, #tpu.memory_space<vmem>> -> memref<128x128xf32, #tpu.memory_space<vmem>>
        %dma_start3A_157 = arith.constant 0 : i32
        %dma_start3A_158 = tpu.memref_slice %arg7[%add3A_152, %dma_start3A_157] : memref<80x128xi32, #tpu.memory_space<vmem>> -> memref<1x128xi32, #tpu.memory_space<vmem>>
        %dma_start3A_159 = tpu.memref_squeeze %dma_start3A_158 : memref<1x128xi32, #tpu.memory_space<vmem>> -> memref<128xi32, #tpu.memory_space<vmem>>
        %dma_start3A_160 = arith.constant 0 : i32
        %dma_start3A_161 = arith.constant 0 : i32
        %dma_start3A_162 = tpu.memref_slice %arg2[%dma_start3A_160, %dma_start3A_161] : memref<10000x128xf32, #tpu.memory_space<hbm>> -> memref<10000x128xf32, #tpu.memory_space<hbm>>
        tpu.enqueue_indirect_dma source(%dma_start3A_162 : memref<10000x128xf32, #tpu.memory_space<hbm>>) target(%dma_start3A_156 : memref<128x128xf32, #tpu.memory_space<vmem>>) offsets(%dma_start3A_159 : memref<128xi32, #tpu.memory_space<vmem>>) semaphore(%arg11 : memref<!tpu.dma_semaphore, #tpu.memory_space<semaphore_mem>>)
      } else {
      }
      %dma_wait3A_128 = arith.constant 0 : i32
      %dma_wait3A_129 = arith.constant 0 : i32
      %dma_wait3A_130 = arith.constant 0 : i32
      %dma_wait3A_131 = tpu.memref_slice %arg9[%scan3A_47, %dma_wait3A_129, %dma_wait3A_130] : memref<2x128x128xf32, #tpu.memory_space<vmem>> -> memref<1x128x128xf32, #tpu.memory_space<vmem>>
      %dma_wait3A_132 = tpu.memref_squeeze %dma_wait3A_131 : memref<1x128x128xf32, #tpu.memory_space<vmem>> -> memref<128x128xf32, #tpu.memory_space<vmem>>
      %dma_wait3A_133 = arith.constant 0 : i32
      %dma_wait3A_134 = tpu.memref_slice %arg7[%dma_wait3A_128, %dma_wait3A_133] : memref<80x128xi32, #tpu.memory_space<vmem>> -> memref<1x128xi32, #tpu.memory_space<vmem>>
      %dma_wait3A_135 = tpu.memref_squeeze %dma_wait3A_134 : memref<1x128xi32, #tpu.memory_space<vmem>> -> memref<128xi32, #tpu.memory_space<vmem>>
      %dma_wait3A_136 = arith.constant 0 : i32
      %dma_wait3A_137 = arith.constant 0 : i32
      %dma_wait3A_138 = tpu.memref_slice %arg2[%dma_wait3A_136, %dma_wait3A_137] : memref<10000x128xf32, #tpu.memory_space<hbm>> -> memref<10000x128xf32, #tpu.memory_space<hbm>>
      tpu.wait_indirect_dma semaphore(%arg11 : memref<!tpu.dma_semaphore, #tpu.memory_space<semaphore_mem>>) src(%dma_wait3A_138 : memref<10000x128xf32, #tpu.memory_space<hbm>>) dst(%dma_wait3A_132 : memref<128x128xf32, #tpu.memory_space<vmem>>)
      %add3A_139 = arith.constant 1 : i32
      %add3A_140 = arith.addi %mul3A_73, %add3A_139 : i32
      %dma_start3A_141 = arith.constant 0 : i32
      %dma_start3A_142 = arith.constant 0 : i32
      %dma_start3A_143 = tpu.memref_slice %arg9[%scan3A_47, %dma_start3A_141, %dma_start3A_142] : memref<2x128x128xf32, #tpu.memory_space<vmem>> -> memref<1x128x128xf32, #tpu.memory_space<vmem>>
      %dma_start3A_144 = tpu.memref_squeeze %dma_start3A_143 : memref<1x128x128xf32, #tpu.memory_space<vmem>> -> memref<128x128xf32, #tpu.memory_space<vmem>>
      %dma_start3A_145 = arith.constant 0 : i32
      %dma_start3A_146 = tpu.memref_slice %arg8[%add3A_140, %dma_start3A_145] : memref<40x128xi32, #tpu.memory_space<vmem>> -> memref<1x128xi32, #tpu.memory_space<vmem>>
      %dma_start3A_147 = tpu.memref_squeeze %dma_start3A_146 : memref<1x128xi32, #tpu.memory_space<vmem>> -> memref<128xi32, #tpu.memory_space<vmem>>
      %dma_start3A_148 = arith.constant 0 : i32
      %dma_start3A_149 = arith.constant 0 : i32
      %dma_start3A_150 = tpu.memref_slice %arg10[%dma_start3A_148, %dma_start3A_149] : memref<10112x128xf32, #tpu.memory_space<vmem_shared>> -> memref<10112x128xf32, #tpu.memory_space<vmem_shared>>
      tpu.enqueue_indirect_dma source(%dma_start3A_144 : memref<128x128xf32, #tpu.memory_space<vmem>>) target(%dma_start3A_150 : memref<10112x128xf32, #tpu.memory_space<vmem_shared>>) offsets(%dma_start3A_147 : memref<128xi32, #tpu.memory_space<vmem>>) semaphore(%arg12 : memref<!tpu.dma_semaphore, #tpu.memory_space<semaphore_mem>>) {add = true}
    }
    %scan3A_53 = arith.constant 20 : i32
    %dma_wait3A_54 = arith.constant 1 : i32
    %dma_wait3A_55 = arith.constant 0 : i32
    %dma_wait3A_56 = arith.constant 0 : i32
    %dma_wait3A_57 = arith.constant 0 : i32
    %dma_wait3A_58 = tpu.memref_slice %arg9[%dma_wait3A_54, %dma_wait3A_56, %dma_wait3A_57] : memref<2x128x128xf32, #tpu.memory_space<vmem>> -> memref<1x128x128xf32, #tpu.memory_space<vmem>>
    %dma_wait3A_59 = tpu.memref_squeeze %dma_wait3A_58 : memref<1x128x128xf32, #tpu.memory_space<vmem>> -> memref<128x128xf32, #tpu.memory_space<vmem>>
    %dma_wait3A_60 = arith.constant 0 : i32
    %dma_wait3A_61 = tpu.memref_slice %arg8[%dma_wait3A_55, %dma_wait3A_60] : memref<40x128xi32, #tpu.memory_space<vmem>> -> memref<1x128xi32, #tpu.memory_space<vmem>>
    %dma_wait3A_62 = tpu.memref_squeeze %dma_wait3A_61 : memref<1x128xi32, #tpu.memory_space<vmem>> -> memref<128xi32, #tpu.memory_space<vmem>>
    %dma_wait3A_63 = arith.constant 0 : i32
    %dma_wait3A_64 = arith.constant 0 : i32
    %dma_wait3A_65 = tpu.memref_slice %arg10[%dma_wait3A_63, %dma_wait3A_64] : memref<10112x128xf32, #tpu.memory_space<vmem_shared>> -> memref<10112x128xf32, #tpu.memory_space<vmem_shared>>
    tpu.wait_indirect_dma semaphore(%arg12 : memref<!tpu.dma_semaphore, #tpu.memory_space<semaphore_mem>>) src(%dma_wait3A_59 : memref<128x128xf32, #tpu.memory_space<vmem>>) dst(%dma_wait3A_65 : memref<10112x128xf32, #tpu.memory_space<vmem_shared>>)
    %barrier3A_66 = arith.constant 0 : index
    tpu.barrier barrier_id(%barrier3A_66)
    %mul3A_67 = arith.constant 632 : i32
    %mul3A_68 = arith.muli %arg1, %mul3A_67 : i32
    %mul3A_69 = arith.constant 632 : i32
    %mul3A_70 = arith.muli %arg1, %mul3A_69 : i32
    "tpu.region"() ({
      %run_scoped3A = tpu.sem_alloc : memref<!tpu.dma_semaphore, #tpu.memory_space<semaphore_mem>>
      %dma_start3A_71 = arith.constant 0 : i32
      %dma_start3A_72 = tpu.memref_slice %arg6[%arg0, %mul3A_70, %dma_start3A_71] : memref<2x10112x128xf32, #tpu.memory_space<hbm>> -> memref<1x632x128xf32, #tpu.memory_space<hbm>>
      %dma_start3A_73 = tpu.memref_squeeze %dma_start3A_72 : memref<1x632x128xf32, #tpu.memory_space<hbm>> -> memref<632x128xf32, #tpu.memory_space<hbm>>
      %dma_start3A_74 = arith.constant 0 : i32
      %dma_start3A_75 = tpu.memref_slice %arg10[%mul3A_68, %dma_start3A_74] : memref<10112x128xf32, #tpu.memory_space<vmem_shared>> -> memref<632x128xf32, #tpu.memory_space<vmem_shared>>
      tpu.enqueue_dma source(%dma_start3A_75 : memref<632x128xf32, #tpu.memory_space<vmem_shared>>) target(%dma_start3A_73 : memref<632x128xf32, #tpu.memory_space<hbm>>) target_semaphore(%run_scoped3A : memref<!tpu.dma_semaphore, #tpu.memory_space<semaphore_mem>>)
      %dma_wait3A_76 = arith.constant 0 : i32
      %dma_wait3A_77 = tpu.memref_slice %arg6[%arg0, %mul3A_70, %dma_wait3A_76] : memref<2x10112x128xf32, #tpu.memory_space<hbm>> -> memref<1x632x128xf32, #tpu.memory_space<hbm>>
      %dma_wait3A_78 = tpu.memref_squeeze %dma_wait3A_77 : memref<1x632x128xf32, #tpu.memory_space<hbm>> -> memref<632x128xf32, #tpu.memory_space<hbm>>
      %dma_wait3A_79 = arith.constant 0 : i32
      %dma_wait3A_80 = tpu.memref_slice %arg10[%mul3A_68, %dma_wait3A_79] : memref<10112x128xf32, #tpu.memory_space<vmem_shared>> -> memref<632x128xf32, #tpu.memory_space<vmem_shared>>
      tpu.wait_dma2 semaphore(%run_scoped3A : memref<!tpu.dma_semaphore, #tpu.memory_space<semaphore_mem>>) src(%dma_wait3A_80 : memref<632x128xf32, #tpu.memory_space<vmem_shared>>) dst(%dma_wait3A_78 : memref<632x128xf32, #tpu.memory_space<hbm>>)
      tpu.yield
    }) : () -> ()
    return
  }
}

#map = affine_map<(d0, d1) -> (0, 0, 0)>
#map1 = affine_map<(d0, d1) -> (0)>
#map2 = affine_map<(d0, d1) -> (0, 0)>
module attributes {stable_mosaic.version = 14 : i64} {
  func.func @_sc_degree_body(%arg0: i32, %arg1: i32, %arg2: memref<32x80x128xi32, #tpu.memory_space<hbm>>, %arg3: memref<10240xf32, #tpu.memory_space<hbm>>, %arg4: memref<2x10240xf32, #tpu.memory_space<hbm>>, %arg5: memref<80x128xi32, #tpu.memory_space<vmem>>, %arg6: memref<128xf32, #tpu.memory_space<vmem>>, %arg7: memref<10240xf32, #tpu.memory_space<vmem_shared>>, %arg8: memref<!tpu.dma_semaphore, #tpu.memory_space<semaphore_mem>>) attributes {dimension_semantics = [#tpu.dimension_semantics<core_parallel>, #tpu.dimension_semantics<subcore_parallel>], iteration_bounds = array<i64: 2, 16>, scalar_prefetch = 0 : i64, scratch_operands = 4 : i64, tpu.core_type = #tpu.core_type<sc_vector_subcore>, window_params = [{transform_indices = #map}, {transform_indices = #map1}, {transform_indices = #map2}]} {
    %broadcast_in_dim3A = arith.constant 1.000000e+00 : f32
    %broadcast_in_dim3A_0 = vector.broadcast %broadcast_in_dim3A : f32 to vector<16xf32>
    %swap3A = arith.constant 0 : index
    %swap3A_1 = tpu.vector_load %arg6[%swap3A] {strides = array<i32>} : memref<128xf32, #tpu.memory_space<vmem>>, vector<16xf32>,
    %swap3A_2 = vector.shape_cast %swap3A_1 : vector<16xf32> to vector<16xf32>
    %swap3A_3 = vector.shape_cast %broadcast_in_dim3A_0 : vector<16xf32> to vector<16xf32>
    tpu.vector_store %arg6[%swap3A], %swap3A_3 {strides = array<i32>} : memref<128xf32, #tpu.memory_space<vmem>>, vector<16xf32>,
    %broadcast_in_dim3A_4 = arith.constant 1.000000e+00 : f32
    %broadcast_in_dim3A_5 = vector.broadcast %broadcast_in_dim3A_4 : f32 to vector<16xf32>
    %swap3A_6 = arith.constant 16 : index
    %swap3A_7 = tpu.vector_load %arg6[%swap3A_6] {strides = array<i32>} : memref<128xf32, #tpu.memory_space<vmem>>, vector<16xf32>,
    %swap3A_8 = vector.shape_cast %swap3A_7 : vector<16xf32> to vector<16xf32>
    %swap3A_9 = vector.shape_cast %broadcast_in_dim3A_5 : vector<16xf32> to vector<16xf32>
    tpu.vector_store %arg6[%swap3A_6], %swap3A_9 {strides = array<i32>} : memref<128xf32, #tpu.memory_space<vmem>>, vector<16xf32>,
    %broadcast_in_dim3A_10 = arith.constant 1.000000e+00 : f32
    %broadcast_in_dim3A_11 = vector.broadcast %broadcast_in_dim3A_10 : f32 to vector<16xf32>
    %swap3A_12 = arith.constant 32 : index
    %swap3A_13 = tpu.vector_load %arg6[%swap3A_12] {strides = array<i32>} : memref<128xf32, #tpu.memory_space<vmem>>, vector<16xf32>,
    %swap3A_14 = vector.shape_cast %swap3A_13 : vector<16xf32> to vector<16xf32>
    %swap3A_15 = vector.shape_cast %broadcast_in_dim3A_11 : vector<16xf32> to vector<16xf32>
    tpu.vector_store %arg6[%swap3A_12], %swap3A_15 {strides = array<i32>} : memref<128xf32, #tpu.memory_space<vmem>>, vector<16xf32>,
    %broadcast_in_dim3A_16 = arith.constant 1.000000e+00 : f32
    %broadcast_in_dim3A_17 = vector.broadcast %broadcast_in_dim3A_16 : f32 to vector<16xf32>
    %swap3A_18 = arith.constant 48 : index
    %swap3A_19 = tpu.vector_load %arg6[%swap3A_18] {strides = array<i32>} : memref<128xf32, #tpu.memory_space<vmem>>, vector<16xf32>,
    %swap3A_20 = vector.shape_cast %swap3A_19 : vector<16xf32> to vector<16xf32>
    %swap3A_21 = vector.shape_cast %broadcast_in_dim3A_17 : vector<16xf32> to vector<16xf32>
    tpu.vector_store %arg6[%swap3A_18], %swap3A_21 {strides = array<i32>} : memref<128xf32, #tpu.memory_space<vmem>>, vector<16xf32>,
    %broadcast_in_dim3A_22 = arith.constant 1.000000e+00 : f32
    %broadcast_in_dim3A_23 = vector.broadcast %broadcast_in_dim3A_22 : f32 to vector<16xf32>
    %swap3A_24 = arith.constant 64 : index
    %swap3A_25 = tpu.vector_load %arg6[%swap3A_24] {strides = array<i32>} : memref<128xf32, #tpu.memory_space<vmem>>, vector<16xf32>,
    %swap3A_26 = vector.shape_cast %swap3A_25 : vector<16xf32> to vector<16xf32>
    %swap3A_27 = vector.shape_cast %broadcast_in_dim3A_23 : vector<16xf32> to vector<16xf32>
    tpu.vector_store %arg6[%swap3A_24], %swap3A_27 {strides = array<i32>} : memref<128xf32, #tpu.memory_space<vmem>>, vector<16xf32>,
    %broadcast_in_dim3A_28 = arith.constant 1.000000e+00 : f32
    %broadcast_in_dim3A_29 = vector.broadcast %broadcast_in_dim3A_28 : f32 to vector<16xf32>
    %swap3A_30 = arith.constant 80 : index
    %swap3A_31 = tpu.vector_load %arg6[%swap3A_30] {strides = array<i32>} : memref<128xf32, #tpu.memory_space<vmem>>, vector<16xf32>,
    %swap3A_32 = vector.shape_cast %swap3A_31 : vector<16xf32> to vector<16xf32>
    %swap3A_33 = vector.shape_cast %broadcast_in_dim3A_29 : vector<16xf32> to vector<16xf32>
    tpu.vector_store %arg6[%swap3A_30], %swap3A_33 {strides = array<i32>} : memref<128xf32, #tpu.memory_space<vmem>>, vector<16xf32>,
    %broadcast_in_dim3A_34 = arith.constant 1.000000e+00 : f32
    %broadcast_in_dim3A_35 = vector.broadcast %broadcast_in_dim3A_34 : f32 to vector<16xf32>
    %swap3A_36 = arith.constant 96 : index
    %swap3A_37 = tpu.vector_load %arg6[%swap3A_36] {strides = array<i32>} : memref<128xf32, #tpu.memory_space<vmem>>, vector<16xf32>,
    %swap3A_38 = vector.shape_cast %swap3A_37 : vector<16xf32> to vector<16xf32>
    %swap3A_39 = vector.shape_cast %broadcast_in_dim3A_35 : vector<16xf32> to vector<16xf32>
    tpu.vector_store %arg6[%swap3A_36], %swap3A_39 {strides = array<i32>} : memref<128xf32, #tpu.memory_space<vmem>>, vector<16xf32>,
    %broadcast_in_dim3A_40 = arith.constant 1.000000e+00 : f32
    %broadcast_in_dim3A_41 = vector.broadcast %broadcast_in_dim3A_40 : f32 to vector<16xf32>
    %swap3A_42 = arith.constant 112 : index
    %swap3A_43 = tpu.vector_load %arg6[%swap3A_42] {strides = array<i32>} : memref<128xf32, #tpu.memory_space<vmem>>, vector<16xf32>,
    %swap3A_44 = vector.shape_cast %swap3A_43 : vector<16xf32> to vector<16xf32>
    %swap3A_45 = vector.shape_cast %broadcast_in_dim3A_41 : vector<16xf32> to vector<16xf32>
    tpu.vector_store %arg6[%swap3A_42], %swap3A_45 {strides = array<i32>} : memref<128xf32, #tpu.memory_space<vmem>>, vector<16xf32>,
    %mul3A = arith.constant 640 : i32
    %mul3A_46 = arith.muli %arg1, %mul3A : i32
    %mul3A_47 = arith.constant 640 : i32
    %mul3A_48 = arith.muli %arg1, %mul3A_47 : i32
    "tpu.region"() ({
      %run_scoped3A = tpu.sem_alloc : memref<!tpu.dma_semaphore, #tpu.memory_space<semaphore_mem>>
      %dma_start3A = tpu.memref_slice %arg7[%mul3A_48] : memref<10240xf32, #tpu.memory_space<vmem_shared>> -> memref<640xf32, #tpu.memory_space<vmem_shared>>
      %dma_start3A_67 = tpu.memref_slice %arg3[%mul3A_46] : memref<10240xf32, #tpu.memory_space<hbm>> -> memref<640xf32, #tpu.memory_space<hbm>>
      tpu.enqueue_dma source(%dma_start3A_67 : memref<640xf32, #tpu.memory_space<hbm>>) target(%dma_start3A : memref<640xf32, #tpu.memory_space<vmem_shared>>) target_semaphore(%run_scoped3A : memref<!tpu.dma_semaphore, #tpu.memory_space<semaphore_mem>>)
      %dma_wait3A = tpu.memref_slice %arg7[%mul3A_48] : memref<10240xf32, #tpu.memory_space<vmem_shared>> -> memref<640xf32, #tpu.memory_space<vmem_shared>>
      %dma_wait3A_68 = tpu.memref_slice %arg3[%mul3A_46] : memref<10240xf32, #tpu.memory_space<hbm>> -> memref<640xf32, #tpu.memory_space<hbm>>
      tpu.wait_dma2 semaphore(%run_scoped3A : memref<!tpu.dma_semaphore, #tpu.memory_space<semaphore_mem>>) src(%dma_wait3A_68 : memref<640xf32, #tpu.memory_space<hbm>>) dst(%dma_wait3A : memref<640xf32, #tpu.memory_space<vmem_shared>>)
      tpu.yield
    }) : () -> ()
    %mul3A_49 = arith.constant 16 : i32
    %mul3A_50 = arith.muli %arg0, %mul3A_49 : i32
    %add3A = arith.addi %mul3A_50, %arg1 : i32
    "tpu.region"() ({
      %run_scoped3A = tpu.sem_alloc : memref<!tpu.dma_semaphore, #tpu.memory_space<semaphore_mem>>
      %dma_start3A = arith.constant 0 : i32
      %dma_start3A_67 = arith.constant 0 : i32
      %dma_start3A_68 = tpu.memref_slice %arg2[%add3A, %dma_start3A, %dma_start3A_67] : memref<32x80x128xi32, #tpu.memory_space<hbm>> -> memref<1x80x128xi32, #tpu.memory_space<hbm>>
      %dma_start3A_69 = tpu.memref_squeeze %dma_start3A_68 : memref<1x80x128xi32, #tpu.memory_space<hbm>> -> memref<80x128xi32, #tpu.memory_space<hbm>>
      %dma_start3A_70 = arith.constant 0 : i32
      %dma_start3A_71 = arith.constant 0 : i32
      %dma_start3A_72 = tpu.memref_slice %arg2[%add3A, %dma_start3A_70, %dma_start3A_71] : memref<32x80x128xi32, #tpu.memory_space<hbm>> -> memref<1x80x128xi32, #tpu.memory_space<hbm>>
      %dma_start3A_73 = tpu.memref_squeeze %dma_start3A_72 : memref<1x80x128xi32, #tpu.memory_space<hbm>> -> memref<80x128xi32, #tpu.memory_space<hbm>>
      tpu.enqueue_dma source(%dma_start3A_73 : memref<80x128xi32, #tpu.memory_space<hbm>>) target(%arg5 : memref<80x128xi32, #tpu.memory_space<vmem>>) target_semaphore(%run_scoped3A : memref<!tpu.dma_semaphore, #tpu.memory_space<semaphore_mem>>)
      %dma_wait3A = arith.constant 0 : i32
      %dma_wait3A_74 = arith.constant 0 : i32
      %dma_wait3A_75 = tpu.memref_slice %arg2[%add3A, %dma_wait3A, %dma_wait3A_74] : memref<32x80x128xi32, #tpu.memory_space<hbm>> -> memref<1x80x128xi32, #tpu.memory_space<hbm>>
      %dma_wait3A_76 = tpu.memref_squeeze %dma_wait3A_75 : memref<1x80x128xi32, #tpu.memory_space<hbm>> -> memref<80x128xi32, #tpu.memory_space<hbm>>
      %dma_wait3A_77 = arith.constant 0 : i32
      %dma_wait3A_78 = arith.constant 0 : i32
      %dma_wait3A_79 = tpu.memref_slice %arg2[%add3A, %dma_wait3A_77, %dma_wait3A_78] : memref<32x80x128xi32, #tpu.memory_space<hbm>> -> memref<1x80x128xi32, #tpu.memory_space<hbm>>
      %dma_wait3A_80 = tpu.memref_squeeze %dma_wait3A_79 : memref<1x80x128xi32, #tpu.memory_space<hbm>> -> memref<80x128xi32, #tpu.memory_space<hbm>>
      tpu.wait_dma2 semaphore(%run_scoped3A : memref<!tpu.dma_semaphore, #tpu.memory_space<semaphore_mem>>) src(%dma_wait3A_80 : memref<80x128xi32, #tpu.memory_space<hbm>>) dst(%arg5 : memref<80x128xi32, #tpu.memory_space<vmem>>)
      tpu.yield
    }) : () -> ()
    %barrier3A = arith.constant 0 : index
    tpu.barrier barrier_id(%barrier3A)
    %scan3A = arith.constant 0 : i32
    %scan3A_51 = arith.constant 0 : i32
    %scan3A_52 = arith.constant 80 : i32
    %scan3A_53 = arith.addi %scan3A_51, %scan3A_52 : i32
    %scan3A_54 = arith.constant 1 : i32
    scf.for %scan3A_67 = %scan3A_51 to %scan3A_53 step %scan3A_54  : i32 {
      %dma_start3A = arith.constant 0 : i32
      %dma_start3A_68 = tpu.memref_slice %arg5[%scan3A_67, %dma_start3A] : memref<80x128xi32, #tpu.memory_space<vmem>> -> memref<1x128xi32, #tpu.memory_space<vmem>>
      %dma_start3A_69 = tpu.memref_squeeze %dma_start3A_68 : memref<1x128xi32, #tpu.memory_space<vmem>> -> memref<128xi32, #tpu.memory_space<vmem>>
      %dma_start3A_70 = arith.constant 0 : i32
      %dma_start3A_71 = tpu.memref_slice %arg7[%dma_start3A_70] : memref<10240xf32, #tpu.memory_space<vmem_shared>> -> memref<10240xf32, #tpu.memory_space<vmem_shared>>
      tpu.enqueue_indirect_dma source(%arg6 : memref<128xf32, #tpu.memory_space<vmem>>) target(%dma_start3A_71 : memref<10240xf32, #tpu.memory_space<vmem_shared>>) offsets(%dma_start3A_69 : memref<128xi32, #tpu.memory_space<vmem>>) semaphore(%arg8 : memref<!tpu.dma_semaphore, #tpu.memory_space<semaphore_mem>>) {add = true}
    }
    %scan3A_55 = arith.constant 80 : i32
    %scan3A_56 = arith.constant 0 : i32
    %scan3A_57 = arith.constant 0 : i32
    %scan3A_58 = arith.constant 80 : i32
    %scan3A_59 = arith.addi %scan3A_57, %scan3A_58 : i32
    %scan3A_60 = arith.constant 1 : i32
    scf.for %scan3A_67 = %scan3A_57 to %scan3A_59 step %scan3A_60  : i32 {
      %dma_wait3A = arith.constant 0 : i32
      %dma_wait3A_68 = arith.constant 0 : i32
      %dma_wait3A_69 = tpu.memref_slice %arg5[%dma_wait3A, %dma_wait3A_68] : memref<80x128xi32, #tpu.memory_space<vmem>> -> memref<1x128xi32, #tpu.memory_space<vmem>>
      %dma_wait3A_70 = tpu.memref_squeeze %dma_wait3A_69 : memref<1x128xi32, #tpu.memory_space<vmem>> -> memref<128xi32, #tpu.memory_space<vmem>>
      %dma_wait3A_71 = arith.constant 0 : i32
      %dma_wait3A_72 = tpu.memref_slice %arg7[%dma_wait3A_71] : memref<10240xf32, #tpu.memory_space<vmem_shared>> -> memref<10240xf32, #tpu.memory_space<vmem_shared>>
      tpu.wait_indirect_dma semaphore(%arg8 : memref<!tpu.dma_semaphore, #tpu.memory_space<semaphore_mem>>) src(%arg6 : memref<128xf32, #tpu.memory_space<vmem>>) dst(%dma_wait3A_72 : memref<10240xf32, #tpu.memory_space<vmem_shared>>)
    }
    %scan3A_61 = arith.constant 80 : i32
    %barrier3A_62 = arith.constant 0 : index
    tpu.barrier barrier_id(%barrier3A_62)
    %mul3A_63 = arith.constant 640 : i32
    %mul3A_64 = arith.muli %arg1, %mul3A_63 : i32
    %mul3A_65 = arith.constant 640 : i32
    %mul3A_66 = arith.muli %arg1, %mul3A_65 : i32
    "tpu.region"() ({
      %run_scoped3A = tpu.sem_alloc : memref<!tpu.dma_semaphore, #tpu.memory_space<semaphore_mem>>
      %dma_start3A = tpu.memref_slice %arg4[%arg0, %mul3A_66] : memref<2x10240xf32, #tpu.memory_space<hbm>> -> memref<1x640xf32, #tpu.memory_space<hbm>>
      %dma_start3A_67 = tpu.memref_squeeze %dma_start3A : memref<1x640xf32, #tpu.memory_space<hbm>> -> memref<640xf32, #tpu.memory_space<hbm>>
      %dma_start3A_68 = tpu.memref_slice %arg7[%mul3A_64] : memref<10240xf32, #tpu.memory_space<vmem_shared>> -> memref<640xf32, #tpu.memory_space<vmem_shared>>
      tpu.enqueue_dma source(%dma_start3A_68 : memref<640xf32, #tpu.memory_space<vmem_shared>>) target(%dma_start3A_67 : memref<640xf32, #tpu.memory_space<hbm>>) target_semaphore(%run_scoped3A : memref<!tpu.dma_semaphore, #tpu.memory_space<semaphore_mem>>)
      %dma_wait3A = tpu.memref_slice %arg4[%arg0, %mul3A_66] : memref<2x10240xf32, #tpu.memory_space<hbm>> -> memref<1x640xf32, #tpu.memory_space<hbm>>
      %dma_wait3A_69 = tpu.memref_squeeze %dma_wait3A : memref<1x640xf32, #tpu.memory_space<hbm>> -> memref<640xf32, #tpu.memory_space<hbm>>
      %dma_wait3A_70 = tpu.memref_slice %arg7[%mul3A_64] : memref<10240xf32, #tpu.memory_space<vmem_shared>> -> memref<640xf32, #tpu.memory_space<vmem_shared>>
      tpu.wait_dma2 semaphore(%run_scoped3A : memref<!tpu.dma_semaphore, #tpu.memory_space<semaphore_mem>>) src(%dma_wait3A_70 : memref<640xf32, #tpu.memory_space<vmem_shared>>) dst(%dma_wait3A_69 : memref<640xf32, #tpu.memory_space<hbm>>)
      tpu.yield
    }) : () -> ()
    return
  }
}

#map = affine_map<(d0, d1) -> (0, 0)>
#map1 = affine_map<(d0, d1) -> (0, 0, 0)>
module attributes {stable_mosaic.version = 14 : i64} {
  func.func @sc_scatter(%arg0: i32, %arg1: i32, %arg2: memref<10000x128xf32, #tpu.memory_space<hbm>>, %arg3: memref<32x80x128xi32, #tpu.memory_space<hbm>>, %arg4: memref<32x80x128xi32, #tpu.memory_space<hbm>>, %arg5: memref<10112x128xf32, #tpu.memory_space<hbm>>, %arg6: memref<2x10112x128xf32, #tpu.memory_space<hbm>>, %arg7: memref<80x128xi32, #tpu.memory_space<vmem>>, %arg8: memref<40x128xi32, #tpu.memory_space<vmem>>, %arg9: memref<2x128x128xf32, #tpu.memory_space<vmem>>, %arg10: memref<10112x128xf32, #tpu.memory_space<vmem_shared>>, %arg11: memref<!tpu.dma_semaphore, #tpu.memory_space<semaphore_mem>>, %arg12: memref<!tpu.dma_semaphore, #tpu.memory_space<semaphore_mem>>) attributes {dimension_semantics = [#tpu.dimension_semantics<core_parallel>, #tpu.dimension_semantics<subcore_parallel>], iteration_bounds = array<i64: 2, 16>, scalar_prefetch = 0 : i64, scratch_operands = 6 : i64, tpu.core_type = #tpu.core_type<sc_vector_subcore>, window_params = [{transform_indices = #map}, {transform_indices = #map1}, {transform_indices = #map1}, {transform_indices = #map}, {transform_indices = #map1}]} {
    %mul3A = arith.constant 16 : i32
    %mul3A_0 = arith.muli %arg0, %mul3A : i32
    %add3A = arith.addi %mul3A_0, %arg1 : i32
    %mul3A_1 = arith.constant 632 : i32
    %mul3A_2 = arith.muli %arg1, %mul3A_1 : i32
    %mul3A_3 = arith.constant 632 : i32
    %mul3A_4 = arith.muli %arg1, %mul3A_3 : i32
    "tpu.region"() ({
      %run_scoped3A = tpu.sem_alloc : memref<!tpu.dma_semaphore, #tpu.memory_space<semaphore_mem>>
      %dma_start3A_71 = arith.constant 0 : i32
      %dma_start3A_72 = tpu.memref_slice %arg10[%mul3A_4, %dma_start3A_71] : memref<10112x128xf32, #tpu.memory_space<vmem_shared>> -> memref<632x128xf32, #tpu.memory_space<vmem_shared>>
      %dma_start3A_73 = arith.constant 0 : i32
      %dma_start3A_74 = tpu.memref_slice %arg5[%mul3A_2, %dma_start3A_73] : memref<10112x128xf32, #tpu.memory_space<hbm>> -> memref<632x128xf32, #tpu.memory_space<hbm>>
      tpu.enqueue_dma source(%dma_start3A_74 : memref<632x128xf32, #tpu.memory_space<hbm>>) target(%dma_start3A_72 : memref<632x128xf32, #tpu.memory_space<vmem_shared>>) target_semaphore(%run_scoped3A : memref<!tpu.dma_semaphore, #tpu.memory_space<semaphore_mem>>)
      %dma_wait3A_75 = arith.constant 0 : i32
      %dma_wait3A_76 = tpu.memref_slice %arg10[%mul3A_4, %dma_wait3A_75] : memref<10112x128xf32, #tpu.memory_space<vmem_shared>> -> memref<632x128xf32, #tpu.memory_space<vmem_shared>>
      %dma_wait3A_77 = arith.constant 0 : i32
      %dma_wait3A_78 = tpu.memref_slice %arg5[%mul3A_2, %dma_wait3A_77] : memref<10112x128xf32, #tpu.memory_space<hbm>> -> memref<632x128xf32, #tpu.memory_space<hbm>>
      tpu.wait_dma2 semaphore(%run_scoped3A : memref<!tpu.dma_semaphore, #tpu.memory_space<semaphore_mem>>) src(%dma_wait3A_78 : memref<632x128xf32, #tpu.memory_space<hbm>>) dst(%dma_wait3A_76 : memref<632x128xf32, #tpu.memory_space<vmem_shared>>)
      tpu.yield
    }) : () -> ()
    "tpu.region"() ({
      %run_scoped3A = tpu.sem_alloc : memref<!tpu.dma_semaphore, #tpu.memory_space<semaphore_mem>>
      %dma_start3A_71 = arith.constant 0 : i32
      %dma_start3A_72 = arith.constant 0 : i32
      %dma_start3A_73 = tpu.memref_slice %arg3[%add3A, %dma_start3A_71, %dma_start3A_72] : memref<32x80x128xi32, #tpu.memory_space<hbm>> -> memref<1x80x128xi32, #tpu.memory_space<hbm>>
      %dma_start3A_74 = tpu.memref_squeeze %dma_start3A_73 : memref<1x80x128xi32, #tpu.memory_space<hbm>> -> memref<80x128xi32, #tpu.memory_space<hbm>>
      %dma_start3A_75 = arith.constant 0 : i32
      %dma_start3A_76 = arith.constant 0 : i32
      %dma_start3A_77 = tpu.memref_slice %arg3[%add3A, %dma_start3A_75, %dma_start3A_76] : memref<32x80x128xi32, #tpu.memory_space<hbm>> -> memref<1x80x128xi32, #tpu.memory_space<hbm>>
      %dma_start3A_78 = tpu.memref_squeeze %dma_start3A_77 : memref<1x80x128xi32, #tpu.memory_space<hbm>> -> memref<80x128xi32, #tpu.memory_space<hbm>>
      tpu.enqueue_dma source(%dma_start3A_78 : memref<80x128xi32, #tpu.memory_space<hbm>>) target(%arg7 : memref<80x128xi32, #tpu.memory_space<vmem>>) target_semaphore(%run_scoped3A : memref<!tpu.dma_semaphore, #tpu.memory_space<semaphore_mem>>)
      %dma_wait3A_79 = arith.constant 0 : i32
      %dma_wait3A_80 = arith.constant 0 : i32
      %dma_wait3A_81 = tpu.memref_slice %arg3[%add3A, %dma_wait3A_79, %dma_wait3A_80] : memref<32x80x128xi32, #tpu.memory_space<hbm>> -> memref<1x80x128xi32, #tpu.memory_space<hbm>>
      %dma_wait3A_82 = tpu.memref_squeeze %dma_wait3A_81 : memref<1x80x128xi32, #tpu.memory_space<hbm>> -> memref<80x128xi32, #tpu.memory_space<hbm>>
      %dma_wait3A_83 = arith.constant 0 : i32
      %dma_wait3A_84 = arith.constant 0 : i32
      %dma_wait3A_85 = tpu.memref_slice %arg3[%add3A, %dma_wait3A_83, %dma_wait3A_84] : memref<32x80x128xi32, #tpu.memory_space<hbm>> -> memref<1x80x128xi32, #tpu.memory_space<hbm>>
      %dma_wait3A_86 = tpu.memref_squeeze %dma_wait3A_85 : memref<1x80x128xi32, #tpu.memory_space<hbm>> -> memref<80x128xi32, #tpu.memory_space<hbm>>
      tpu.wait_dma2 semaphore(%run_scoped3A : memref<!tpu.dma_semaphore, #tpu.memory_space<semaphore_mem>>) src(%dma_wait3A_86 : memref<80x128xi32, #tpu.memory_space<hbm>>) dst(%arg7 : memref<80x128xi32, #tpu.memory_space<vmem>>)
      tpu.yield
    }) : () -> ()
    %barrier3A = arith.constant 0 : index
    tpu.barrier barrier_id(%barrier3A)
    "tpu.region"() ({
      %run_scoped3A = tpu.sem_alloc : memref<!tpu.dma_semaphore, #tpu.memory_space<semaphore_mem>>
      %dma_start3A_71 = arith.constant 0 : i32
      %dma_start3A_72 = arith.constant 0 : i32
      %dma_start3A_73 = tpu.memref_slice %arg4[%add3A, %dma_start3A_71, %dma_start3A_72] : memref<32x80x128xi32, #tpu.memory_space<hbm>> -> memref<1x40x128xi32, #tpu.memory_space<hbm>>
      %dma_start3A_74 = tpu.memref_squeeze %dma_start3A_73 : memref<1x40x128xi32, #tpu.memory_space<hbm>> -> memref<40x128xi32, #tpu.memory_space<hbm>>
      %dma_start3A_75 = arith.constant 0 : i32
      %dma_start3A_76 = arith.constant 0 : i32
      %dma_start3A_77 = tpu.memref_slice %arg4[%add3A, %dma_start3A_75, %dma_start3A_76] : memref<32x80x128xi32, #tpu.memory_space<hbm>> -> memref<1x40x128xi32, #tpu.memory_space<hbm>>
      %dma_start3A_78 = tpu.memref_squeeze %dma_start3A_77 : memref<1x40x128xi32, #tpu.memory_space<hbm>> -> memref<40x128xi32, #tpu.memory_space<hbm>>
      tpu.enqueue_dma source(%dma_start3A_78 : memref<40x128xi32, #tpu.memory_space<hbm>>) target(%arg8 : memref<40x128xi32, #tpu.memory_space<vmem>>) target_semaphore(%run_scoped3A : memref<!tpu.dma_semaphore, #tpu.memory_space<semaphore_mem>>)
      %dma_wait3A_79 = arith.constant 0 : i32
      %dma_wait3A_80 = arith.constant 0 : i32
      %dma_wait3A_81 = tpu.memref_slice %arg4[%add3A, %dma_wait3A_79, %dma_wait3A_80] : memref<32x80x128xi32, #tpu.memory_space<hbm>> -> memref<1x40x128xi32, #tpu.memory_space<hbm>>
      %dma_wait3A_82 = tpu.memref_squeeze %dma_wait3A_81 : memref<1x40x128xi32, #tpu.memory_space<hbm>> -> memref<40x128xi32, #tpu.memory_space<hbm>>
      %dma_wait3A_83 = arith.constant 0 : i32
      %dma_wait3A_84 = arith.constant 0 : i32
      %dma_wait3A_85 = tpu.memref_slice %arg4[%add3A, %dma_wait3A_83, %dma_wait3A_84] : memref<32x80x128xi32, #tpu.memory_space<hbm>> -> memref<1x40x128xi32, #tpu.memory_space<hbm>>
      %dma_wait3A_86 = tpu.memref_squeeze %dma_wait3A_85 : memref<1x40x128xi32, #tpu.memory_space<hbm>> -> memref<40x128xi32, #tpu.memory_space<hbm>>
      tpu.wait_dma2 semaphore(%run_scoped3A : memref<!tpu.dma_semaphore, #tpu.memory_space<semaphore_mem>>) src(%dma_wait3A_86 : memref<40x128xi32, #tpu.memory_space<hbm>>) dst(%arg8 : memref<40x128xi32, #tpu.memory_space<vmem>>)
      tpu.yield
    }) : () -> ()
    %dma_start3A = arith.constant 0 : i32
    %dma_start3A_5 = arith.constant 0 : i32
    %dma_start3A_6 = arith.constant 0 : i32
    %dma_start3A_7 = arith.constant 0 : i32
    %dma_start3A_8 = tpu.memref_slice %arg9[%dma_start3A_5, %dma_start3A_6, %dma_start3A_7] : memref<2x128x128xf32, #tpu.memory_space<vmem>> -> memref<1x128x128xf32, #tpu.memory_space<vmem>>
    %dma_start3A_9 = tpu.memref_squeeze %dma_start3A_8 : memref<1x128x128xf32, #tpu.memory_space<vmem>> -> memref<128x128xf32, #tpu.memory_space<vmem>>
    %dma_start3A_10 = arith.constant 0 : i32
    %dma_start3A_11 = tpu.memref_slice %arg7[%dma_start3A, %dma_start3A_10] : memref<80x128xi32, #tpu.memory_space<vmem>> -> memref<1x128xi32, #tpu.memory_space<vmem>>
    %dma_start3A_12 = tpu.memref_squeeze %dma_start3A_11 : memref<1x128xi32, #tpu.memory_space<vmem>> -> memref<128xi32, #tpu.memory_space<vmem>>
    %dma_start3A_13 = arith.constant 0 : i32
    %dma_start3A_14 = arith.constant 0 : i32
    %dma_start3A_15 = tpu.memref_slice %arg2[%dma_start3A_13, %dma_start3A_14] : memref<10000x128xf32, #tpu.memory_space<hbm>> -> memref<10000x128xf32, #tpu.memory_space<hbm>>
    tpu.enqueue_indirect_dma source(%dma_start3A_15 : memref<10000x128xf32, #tpu.memory_space<hbm>>) target(%dma_start3A_9 : memref<128x128xf32, #tpu.memory_space<vmem>>) offsets(%dma_start3A_12 : memref<128xi32, #tpu.memory_space<vmem>>) semaphore(%arg11 : memref<!tpu.dma_semaphore, #tpu.memory_space<semaphore_mem>>)
    %scan3A = arith.constant 0 : i32
    %scan3A_16 = arith.constant 1 : i32
    %scan3A_17 = arith.constant 0 : i32
    %scan3A_18 = arith.constant 0 : i32
    %scan3A_19 = arith.constant 20 : i32
    %scan3A_20 = arith.addi %scan3A_18, %scan3A_19 : i32
    %scan3A_21 = arith.constant 1 : i32
    scf.for %scan3A_71 = %scan3A_18 to %scan3A_20 step %scan3A_21  : i32 {
      %mul3A_72 = arith.constant 2 : i32
      %mul3A_73 = arith.muli %mul3A_72, %scan3A_71 : i32
      %add3A_74 = arith.constant 0 : i32
      %add3A_75 = arith.addi %add3A_74, %mul3A_73 : i32
      %ge3A = arith.constant 1 : i32
      %ge3A_76 = arith.cmpi sge, %scan3A_71, %ge3A : i32
      %convert_element_type3A = arith.extui %ge3A_76 : i1 to i32
      %cond3A = arith.constant 0 : i32
      %cond3A_77 = arith.cmpi ne, %convert_element_type3A, %cond3A : i32
      scf.if %cond3A_77 {
        %dma_wait3A_151 = arith.constant 0 : i32
        %dma_wait3A_152 = arith.constant 0 : i32
        %dma_wait3A_153 = arith.constant 0 : i32
        %dma_wait3A_154 = tpu.memref_slice %arg9[%scan3A_16, %dma_wait3A_152, %dma_wait3A_153] : memref<2x128x128xf32, #tpu.memory_space<vmem>> -> memref<1x128x128xf32, #tpu.memory_space<vmem>>
        %dma_wait3A_155 = tpu.memref_squeeze %dma_wait3A_154 : memref<1x128x128xf32, #tpu.memory_space<vmem>> -> memref<128x128xf32, #tpu.memory_space<vmem>>
        %dma_wait3A_156 = arith.constant 0 : i32
        %dma_wait3A_157 = tpu.memref_slice %arg8[%dma_wait3A_151, %dma_wait3A_156] : memref<40x128xi32, #tpu.memory_space<vmem>> -> memref<1x128xi32, #tpu.memory_space<vmem>>
        %dma_wait3A_158 = tpu.memref_squeeze %dma_wait3A_157 : memref<1x128xi32, #tpu.memory_space<vmem>> -> memref<128xi32, #tpu.memory_space<vmem>>
        %dma_wait3A_159 = arith.constant 0 : i32
        %dma_wait3A_160 = arith.constant 0 : i32
        %dma_wait3A_161 = tpu.memref_slice %arg10[%dma_wait3A_159, %dma_wait3A_160] : memref<10112x128xf32, #tpu.memory_space<vmem_shared>> -> memref<10112x128xf32, #tpu.memory_space<vmem_shared>>
        tpu.wait_indirect_dma semaphore(%arg12 : memref<!tpu.dma_semaphore, #tpu.memory_space<semaphore_mem>>) src(%dma_wait3A_155 : memref<128x128xf32, #tpu.memory_space<vmem>>) dst(%dma_wait3A_161 : memref<10112x128xf32, #tpu.memory_space<vmem_shared>>)
      } else {
      }
      %add3A_78 = arith.constant 1 : i32
      %add3A_79 = arith.addi %add3A_75, %add3A_78 : i32
      %dma_start3A_80 = arith.constant 0 : i32
      %dma_start3A_81 = arith.constant 0 : i32
      %dma_start3A_82 = tpu.memref_slice %arg9[%scan3A_16, %dma_start3A_80, %dma_start3A_81] : memref<2x128x128xf32, #tpu.memory_space<vmem>> -> memref<1x128x128xf32, #tpu.memory_space<vmem>>
      %dma_start3A_83 = tpu.memref_squeeze %dma_start3A_82 : memref<1x128x128xf32, #tpu.memory_space<vmem>> -> memref<128x128xf32, #tpu.memory_space<vmem>>
      %dma_start3A_84 = arith.constant 0 : i32
      %dma_start3A_85 = tpu.memref_slice %arg7[%add3A_79, %dma_start3A_84] : memref<80x128xi32, #tpu.memory_space<vmem>> -> memref<1x128xi32, #tpu.memory_space<vmem>>
      %dma_start3A_86 = tpu.memref_squeeze %dma_start3A_85 : memref<1x128xi32, #tpu.memory_space<vmem>> -> memref<128xi32, #tpu.memory_space<vmem>>
      %dma_start3A_87 = arith.constant 0 : i32
      %dma_start3A_88 = arith.constant 0 : i32
      %dma_start3A_89 = tpu.memref_slice %arg2[%dma_start3A_87, %dma_start3A_88] : memref<10000x128xf32, #tpu.memory_space<hbm>> -> memref<10000x128xf32, #tpu.memory_space<hbm>>
      tpu.enqueue_indirect_dma source(%dma_start3A_89 : memref<10000x128xf32, #tpu.memory_space<hbm>>) target(%dma_start3A_83 : memref<128x128xf32, #tpu.memory_space<vmem>>) offsets(%dma_start3A_86 : memref<128xi32, #tpu.memory_space<vmem>>) semaphore(%arg11 : memref<!tpu.dma_semaphore, #tpu.memory_space<semaphore_mem>>)
      %dma_wait3A_90 = arith.constant 0 : i32
      %dma_wait3A_91 = arith.constant 0 : i32
      %dma_wait3A_92 = arith.constant 0 : i32
      %dma_wait3A_93 = tpu.memref_slice %arg9[%scan3A_17, %dma_wait3A_91, %dma_wait3A_92] : memref<2x128x128xf32, #tpu.memory_space<vmem>> -> memref<1x128x128xf32, #tpu.memory_space<vmem>>
      %dma_wait3A_94 = tpu.memref_squeeze %dma_wait3A_93 : memref<1x128x128xf32, #tpu.memory_space<vmem>> -> memref<128x128xf32, #tpu.memory_space<vmem>>
      %dma_wait3A_95 = arith.constant 0 : i32
      %dma_wait3A_96 = tpu.memref_slice %arg7[%dma_wait3A_90, %dma_wait3A_95] : memref<80x128xi32, #tpu.memory_space<vmem>> -> memref<1x128xi32, #tpu.memory_space<vmem>>
      %dma_wait3A_97 = tpu.memref_squeeze %dma_wait3A_96 : memref<1x128xi32, #tpu.memory_space<vmem>> -> memref<128xi32, #tpu.memory_space<vmem>>
      %dma_wait3A_98 = arith.constant 0 : i32
      %dma_wait3A_99 = arith.constant 0 : i32
      %dma_wait3A_100 = tpu.memref_slice %arg2[%dma_wait3A_98, %dma_wait3A_99] : memref<10000x128xf32, #tpu.memory_space<hbm>> -> memref<10000x128xf32, #tpu.memory_space<hbm>>
      tpu.wait_indirect_dma semaphore(%arg11 : memref<!tpu.dma_semaphore, #tpu.memory_space<semaphore_mem>>) src(%dma_wait3A_100 : memref<10000x128xf32, #tpu.memory_space<hbm>>) dst(%dma_wait3A_94 : memref<128x128xf32, #tpu.memory_space<vmem>>)
      %dma_start3A_101 = arith.constant 0 : i32
      %dma_start3A_102 = arith.constant 0 : i32
      %dma_start3A_103 = tpu.memref_slice %arg9[%scan3A_17, %dma_start3A_101, %dma_start3A_102] : memref<2x128x128xf32, #tpu.memory_space<vmem>> -> memref<1x128x128xf32, #tpu.memory_space<vmem>>
      %dma_start3A_104 = tpu.memref_squeeze %dma_start3A_103 : memref<1x128x128xf32, #tpu.memory_space<vmem>> -> memref<128x128xf32, #tpu.memory_space<vmem>>
      %dma_start3A_105 = arith.constant 0 : i32
      %dma_start3A_106 = tpu.memref_slice %arg8[%mul3A_73, %dma_start3A_105] : memref<40x128xi32, #tpu.memory_space<vmem>> -> memref<1x128xi32, #tpu.memory_space<vmem>>
      %dma_start3A_107 = tpu.memref_squeeze %dma_start3A_106 : memref<1x128xi32, #tpu.memory_space<vmem>> -> memref<128xi32, #tpu.memory_space<vmem>>
      %dma_start3A_108 = arith.constant 0 : i32
      %dma_start3A_109 = arith.constant 0 : i32
      %dma_start3A_110 = tpu.memref_slice %arg10[%dma_start3A_108, %dma_start3A_109] : memref<10112x128xf32, #tpu.memory_space<vmem_shared>> -> memref<10112x128xf32, #tpu.memory_space<vmem_shared>>
      tpu.enqueue_indirect_dma source(%dma_start3A_104 : memref<128x128xf32, #tpu.memory_space<vmem>>) target(%dma_start3A_110 : memref<10112x128xf32, #tpu.memory_space<vmem_shared>>) offsets(%dma_start3A_107 : memref<128xi32, #tpu.memory_space<vmem>>) semaphore(%arg12 : memref<!tpu.dma_semaphore, #tpu.memory_space<semaphore_mem>>) {add = true}
      %dma_wait3A_111 = arith.constant 0 : i32
      %dma_wait3A_112 = arith.constant 0 : i32
      %dma_wait3A_113 = arith.constant 0 : i32
      %dma_wait3A_114 = tpu.memref_slice %arg9[%scan3A_17, %dma_wait3A_112, %dma_wait3A_113] : memref<2x128x128xf32, #tpu.memory_space<vmem>> -> memref<1x128x128xf32, #tpu.memory_space<vmem>>
      %dma_wait3A_115 = tpu.memref_squeeze %dma_wait3A_114 : memref<1x128x128xf32, #tpu.memory_space<vmem>> -> memref<128x128xf32, #tpu.memory_space<vmem>>
      %dma_wait3A_116 = arith.constant 0 : i32
      %dma_wait3A_117 = tpu.memref_slice %arg8[%dma_wait3A_111, %dma_wait3A_116] : memref<40x128xi32, #tpu.memory_space<vmem>> -> memref<1x128xi32, #tpu.memory_space<vmem>>
      %dma_wait3A_118 = tpu.memref_squeeze %dma_wait3A_117 : memref<1x128xi32, #tpu.memory_space<vmem>> -> memref<128xi32, #tpu.memory_space<vmem>>
      %dma_wait3A_119 = arith.constant 0 : i32
      %dma_wait3A_120 = arith.constant 0 : i32
      %dma_wait3A_121 = tpu.memref_slice %arg10[%dma_wait3A_119, %dma_wait3A_120] : memref<10112x128xf32, #tpu.memory_space<vmem_shared>> -> memref<10112x128xf32, #tpu.memory_space<vmem_shared>>
      tpu.wait_indirect_dma semaphore(%arg12 : memref<!tpu.dma_semaphore, #tpu.memory_space<semaphore_mem>>) src(%dma_wait3A_115 : memref<128x128xf32, #tpu.memory_space<vmem>>) dst(%dma_wait3A_121 : memref<10112x128xf32, #tpu.memory_space<vmem_shared>>)
      %add3A_122 = arith.constant 1 : i32
      %add3A_123 = arith.addi %scan3A_71, %add3A_122 : i32
      %lt3A = arith.constant 20 : i32
      %lt3A_124 = arith.cmpi slt, %add3A_123, %lt3A : i32
      %convert_element_type3A_125 = arith.extui %lt3A_124 : i1 to i32
      %cond3A_126 = arith.constant 0 : i32
      %cond3A_127 = arith.cmpi ne, %convert_element_type3A_125, %cond3A_126 : i32
      scf.if %cond3A_127 {
        %add3A_151 = arith.constant 2 : i32
        %add3A_152 = arith.addi %add3A_75, %add3A_151 : i32
        %dma_start3A_153 = arith.constant 0 : i32
        %dma_start3A_154 = arith.constant 0 : i32
        %dma_start3A_155 = tpu.memref_slice %arg9[%scan3A_17, %dma_start3A_153, %dma_start3A_154] : memref<2x128x128xf32, #tpu.memory_space<vmem>> -> memref<1x128x128xf32, #tpu.memory_space<vmem>>
        %dma_start3A_156 = tpu.memref_squeeze %dma_start3A_155 : memref<1x128x128xf32, #tpu.memory_space<vmem>> -> memref<128x128xf32, #tpu.memory_space<vmem>>
        %dma_start3A_157 = arith.constant 0 : i32
        %dma_start3A_158 = tpu.memref_slice %arg7[%add3A_152, %dma_start3A_157] : memref<80x128xi32, #tpu.memory_space<vmem>> -> memref<1x128xi32, #tpu.memory_space<vmem>>
        %dma_start3A_159 = tpu.memref_squeeze %dma_start3A_158 : memref<1x128xi32, #tpu.memory_space<vmem>> -> memref<128xi32, #tpu.memory_space<vmem>>
        %dma_start3A_160 = arith.constant 0 : i32
        %dma_start3A_161 = arith.constant 0 : i32
        %dma_start3A_162 = tpu.memref_slice %arg2[%dma_start3A_160, %dma_start3A_161] : memref<10000x128xf32, #tpu.memory_space<hbm>> -> memref<10000x128xf32, #tpu.memory_space<hbm>>
        tpu.enqueue_indirect_dma source(%dma_start3A_162 : memref<10000x128xf32, #tpu.memory_space<hbm>>) target(%dma_start3A_156 : memref<128x128xf32, #tpu.memory_space<vmem>>) offsets(%dma_start3A_159 : memref<128xi32, #tpu.memory_space<vmem>>) semaphore(%arg11 : memref<!tpu.dma_semaphore, #tpu.memory_space<semaphore_mem>>)
      } else {
      }
      %dma_wait3A_128 = arith.constant 0 : i32
      %dma_wait3A_129 = arith.constant 0 : i32
      %dma_wait3A_130 = arith.constant 0 : i32
      %dma_wait3A_131 = tpu.memref_slice %arg9[%scan3A_16, %dma_wait3A_129, %dma_wait3A_130] : memref<2x128x128xf32, #tpu.memory_space<vmem>> -> memref<1x128x128xf32, #tpu.memory_space<vmem>>
      %dma_wait3A_132 = tpu.memref_squeeze %dma_wait3A_131 : memref<1x128x128xf32, #tpu.memory_space<vmem>> -> memref<128x128xf32, #tpu.memory_space<vmem>>
      %dma_wait3A_133 = arith.constant 0 : i32
      %dma_wait3A_134 = tpu.memref_slice %arg7[%dma_wait3A_128, %dma_wait3A_133] : memref<80x128xi32, #tpu.memory_space<vmem>> -> memref<1x128xi32, #tpu.memory_space<vmem>>
      %dma_wait3A_135 = tpu.memref_squeeze %dma_wait3A_134 : memref<1x128xi32, #tpu.memory_space<vmem>> -> memref<128xi32, #tpu.memory_space<vmem>>
      %dma_wait3A_136 = arith.constant 0 : i32
      %dma_wait3A_137 = arith.constant 0 : i32
      %dma_wait3A_138 = tpu.memref_slice %arg2[%dma_wait3A_136, %dma_wait3A_137] : memref<10000x128xf32, #tpu.memory_space<hbm>> -> memref<10000x128xf32, #tpu.memory_space<hbm>>
      tpu.wait_indirect_dma semaphore(%arg11 : memref<!tpu.dma_semaphore, #tpu.memory_space<semaphore_mem>>) src(%dma_wait3A_138 : memref<10000x128xf32, #tpu.memory_space<hbm>>) dst(%dma_wait3A_132 : memref<128x128xf32, #tpu.memory_space<vmem>>)
      %add3A_139 = arith.constant 1 : i32
      %add3A_140 = arith.addi %mul3A_73, %add3A_139 : i32
      %dma_start3A_141 = arith.constant 0 : i32
      %dma_start3A_142 = arith.constant 0 : i32
      %dma_start3A_143 = tpu.memref_slice %arg9[%scan3A_16, %dma_start3A_141, %dma_start3A_142] : memref<2x128x128xf32, #tpu.memory_space<vmem>> -> memref<1x128x128xf32, #tpu.memory_space<vmem>>
      %dma_start3A_144 = tpu.memref_squeeze %dma_start3A_143 : memref<1x128x128xf32, #tpu.memory_space<vmem>> -> memref<128x128xf32, #tpu.memory_space<vmem>>
      %dma_start3A_145 = arith.constant 0 : i32
      %dma_start3A_146 = tpu.memref_slice %arg8[%add3A_140, %dma_start3A_145] : memref<40x128xi32, #tpu.memory_space<vmem>> -> memref<1x128xi32, #tpu.memory_space<vmem>>
      %dma_start3A_147 = tpu.memref_squeeze %dma_start3A_146 : memref<1x128xi32, #tpu.memory_space<vmem>> -> memref<128xi32, #tpu.memory_space<vmem>>
      %dma_start3A_148 = arith.constant 0 : i32
      %dma_start3A_149 = arith.constant 0 : i32
      %dma_start3A_150 = tpu.memref_slice %arg10[%dma_start3A_148, %dma_start3A_149] : memref<10112x128xf32, #tpu.memory_space<vmem_shared>> -> memref<10112x128xf32, #tpu.memory_space<vmem_shared>>
      tpu.enqueue_indirect_dma source(%dma_start3A_144 : memref<128x128xf32, #tpu.memory_space<vmem>>) target(%dma_start3A_150 : memref<10112x128xf32, #tpu.memory_space<vmem_shared>>) offsets(%dma_start3A_147 : memref<128xi32, #tpu.memory_space<vmem>>) semaphore(%arg12 : memref<!tpu.dma_semaphore, #tpu.memory_space<semaphore_mem>>) {add = true}
    }
    %scan3A_22 = arith.constant 20 : i32
    %dma_wait3A = arith.constant 1 : i32
    %dma_wait3A_23 = arith.constant 0 : i32
    %dma_wait3A_24 = arith.constant 0 : i32
    %dma_wait3A_25 = arith.constant 0 : i32
    %dma_wait3A_26 = tpu.memref_slice %arg9[%dma_wait3A, %dma_wait3A_24, %dma_wait3A_25] : memref<2x128x128xf32, #tpu.memory_space<vmem>> -> memref<1x128x128xf32, #tpu.memory_space<vmem>>
    %dma_wait3A_27 = tpu.memref_squeeze %dma_wait3A_26 : memref<1x128x128xf32, #tpu.memory_space<vmem>> -> memref<128x128xf32, #tpu.memory_space<vmem>>
    %dma_wait3A_28 = arith.constant 0 : i32
    %dma_wait3A_29 = tpu.memref_slice %arg8[%dma_wait3A_23, %dma_wait3A_28] : memref<40x128xi32, #tpu.memory_space<vmem>> -> memref<1x128xi32, #tpu.memory_space<vmem>>
    %dma_wait3A_30 = tpu.memref_squeeze %dma_wait3A_29 : memref<1x128xi32, #tpu.memory_space<vmem>> -> memref<128xi32, #tpu.memory_space<vmem>>
    %dma_wait3A_31 = arith.constant 0 : i32
    %dma_wait3A_32 = arith.constant 0 : i32
    %dma_wait3A_33 = tpu.memref_slice %arg10[%dma_wait3A_31, %dma_wait3A_32] : memref<10112x128xf32, #tpu.memory_space<vmem_shared>> -> memref<10112x128xf32, #tpu.memory_space<vmem_shared>>
    tpu.wait_indirect_dma semaphore(%arg12 : memref<!tpu.dma_semaphore, #tpu.memory_space<semaphore_mem>>) src(%dma_wait3A_27 : memref<128x128xf32, #tpu.memory_space<vmem>>) dst(%dma_wait3A_33 : memref<10112x128xf32, #tpu.memory_space<vmem_shared>>)
    "tpu.region"() ({
      %run_scoped3A = tpu.sem_alloc : memref<!tpu.dma_semaphore, #tpu.memory_space<semaphore_mem>>
      %dma_start3A_71 = arith.constant 40 : i32
      %dma_start3A_72 = arith.constant 0 : i32
      %dma_start3A_73 = tpu.memref_slice %arg4[%add3A, %dma_start3A_71, %dma_start3A_72] : memref<32x80x128xi32, #tpu.memory_space<hbm>> -> memref<1x40x128xi32, #tpu.memory_space<hbm>>
      %dma_start3A_74 = tpu.memref_squeeze %dma_start3A_73 : memref<1x40x128xi32, #tpu.memory_space<hbm>> -> memref<40x128xi32, #tpu.memory_space<hbm>>
      %dma_start3A_75 = arith.constant 40 : i32
      %dma_start3A_76 = arith.constant 0 : i32
      %dma_start3A_77 = tpu.memref_slice %arg4[%add3A, %dma_start3A_75, %dma_start3A_76] : memref<32x80x128xi32, #tpu.memory_space<hbm>> -> memref<1x40x128xi32, #tpu.memory_space<hbm>>
      %dma_start3A_78 = tpu.memref_squeeze %dma_start3A_77 : memref<1x40x128xi32, #tpu.memory_space<hbm>> -> memref<40x128xi32, #tpu.memory_space<hbm>>
      tpu.enqueue_dma source(%dma_start3A_78 : memref<40x128xi32, #tpu.memory_space<hbm>>) target(%arg8 : memref<40x128xi32, #tpu.memory_space<vmem>>) target_semaphore(%run_scoped3A : memref<!tpu.dma_semaphore, #tpu.memory_space<semaphore_mem>>)
      %dma_wait3A_79 = arith.constant 40 : i32
      %dma_wait3A_80 = arith.constant 0 : i32
      %dma_wait3A_81 = tpu.memref_slice %arg4[%add3A, %dma_wait3A_79, %dma_wait3A_80] : memref<32x80x128xi32, #tpu.memory_space<hbm>> -> memref<1x40x128xi32, #tpu.memory_space<hbm>>
      %dma_wait3A_82 = tpu.memref_squeeze %dma_wait3A_81 : memref<1x40x128xi32, #tpu.memory_space<hbm>> -> memref<40x128xi32, #tpu.memory_space<hbm>>
      %dma_wait3A_83 = arith.constant 40 : i32
      %dma_wait3A_84 = arith.constant 0 : i32
      %dma_wait3A_85 = tpu.memref_slice %arg4[%add3A, %dma_wait3A_83, %dma_wait3A_84] : memref<32x80x128xi32, #tpu.memory_space<hbm>> -> memref<1x40x128xi32, #tpu.memory_space<hbm>>
      %dma_wait3A_86 = tpu.memref_squeeze %dma_wait3A_85 : memref<1x40x128xi32, #tpu.memory_space<hbm>> -> memref<40x128xi32, #tpu.memory_space<hbm>>
      tpu.wait_dma2 semaphore(%run_scoped3A : memref<!tpu.dma_semaphore, #tpu.memory_space<semaphore_mem>>) src(%dma_wait3A_86 : memref<40x128xi32, #tpu.memory_space<hbm>>) dst(%arg8 : memref<40x128xi32, #tpu.memory_space<vmem>>)
      tpu.yield
    }) : () -> ()
    %dma_start3A_34 = arith.constant 40 : i32
    %dma_start3A_35 = arith.constant 0 : i32
    %dma_start3A_36 = arith.constant 0 : i32
    %dma_start3A_37 = arith.constant 0 : i32
    %dma_start3A_38 = tpu.memref_slice %arg9[%dma_start3A_35, %dma_start3A_36, %dma_start3A_37] : memref<2x128x128xf32, #tpu.memory_space<vmem>> -> memref<1x128x128xf32, #tpu.memory_space<vmem>>
    %dma_start3A_39 = tpu.memref_squeeze %dma_start3A_38 : memref<1x128x128xf32, #tpu.memory_space<vmem>> -> memref<128x128xf32, #tpu.memory_space<vmem>>
    %dma_start3A_40 = arith.constant 0 : i32
    %dma_start3A_41 = tpu.memref_slice %arg7[%dma_start3A_34, %dma_start3A_40] : memref<80x128xi32, #tpu.memory_space<vmem>> -> memref<1x128xi32, #tpu.memory_space<vmem>>
    %dma_start3A_42 = tpu.memref_squeeze %dma_start3A_41 : memref<1x128xi32, #tpu.memory_space<vmem>> -> memref<128xi32, #tpu.memory_space<vmem>>
    %dma_start3A_43 = arith.constant 0 : i32
    %dma_start3A_44 = arith.constant 0 : i32
    %dma_start3A_45 = tpu.memref_slice %arg2[%dma_start3A_43, %dma_start3A_44] : memref<10000x128xf32, #tpu.memory_space<hbm>> -> memref<10000x128xf32, #tpu.memory_space<hbm>>
    tpu.enqueue_indirect_dma source(%dma_start3A_45 : memref<10000x128xf32, #tpu.memory_space<hbm>>) target(%dma_start3A_39 : memref<128x128xf32, #tpu.memory_space<vmem>>) offsets(%dma_start3A_42 : memref<128xi32, #tpu.memory_space<vmem>>) semaphore(%arg11 : memref<!tpu.dma_semaphore, #tpu.memory_space<semaphore_mem>>)
    %scan3A_46 = arith.constant 0 : i32
    %scan3A_47 = arith.constant 1 : i32
    %scan3A_48 = arith.constant 0 : i32
    %scan3A_49 = arith.constant 0 : i32
    %scan3A_50 = arith.constant 20 : i32
    %scan3A_51 = arith.addi %scan3A_49, %scan3A_50 : i32
    %scan3A_52 = arith.constant 1 : i32
    scf.for %scan3A_71 = %scan3A_49 to %scan3A_51 step %scan3A_52  : i32 {
      %mul3A_72 = arith.constant 2 : i32
      %mul3A_73 = arith.muli %mul3A_72, %scan3A_71 : i32
      %add3A_74 = arith.constant 40 : i32
      %add3A_75 = arith.addi %add3A_74, %mul3A_73 : i32
      %ge3A = arith.constant 1 : i32
      %ge3A_76 = arith.cmpi sge, %scan3A_71, %ge3A : i32
      %convert_element_type3A = arith.extui %ge3A_76 : i1 to i32
      %cond3A = arith.constant 0 : i32
      %cond3A_77 = arith.cmpi ne, %convert_element_type3A, %cond3A : i32
      scf.if %cond3A_77 {
        %dma_wait3A_151 = arith.constant 0 : i32
        %dma_wait3A_152 = arith.constant 0 : i32
        %dma_wait3A_153 = arith.constant 0 : i32
        %dma_wait3A_154 = tpu.memref_slice %arg9[%scan3A_47, %dma_wait3A_152, %dma_wait3A_153] : memref<2x128x128xf32, #tpu.memory_space<vmem>> -> memref<1x128x128xf32, #tpu.memory_space<vmem>>
        %dma_wait3A_155 = tpu.memref_squeeze %dma_wait3A_154 : memref<1x128x128xf32, #tpu.memory_space<vmem>> -> memref<128x128xf32, #tpu.memory_space<vmem>>
        %dma_wait3A_156 = arith.constant 0 : i32
        %dma_wait3A_157 = tpu.memref_slice %arg8[%dma_wait3A_151, %dma_wait3A_156] : memref<40x128xi32, #tpu.memory_space<vmem>> -> memref<1x128xi32, #tpu.memory_space<vmem>>
        %dma_wait3A_158 = tpu.memref_squeeze %dma_wait3A_157 : memref<1x128xi32, #tpu.memory_space<vmem>> -> memref<128xi32, #tpu.memory_space<vmem>>
        %dma_wait3A_159 = arith.constant 0 : i32
        %dma_wait3A_160 = arith.constant 0 : i32
        %dma_wait3A_161 = tpu.memref_slice %arg10[%dma_wait3A_159, %dma_wait3A_160] : memref<10112x128xf32, #tpu.memory_space<vmem_shared>> -> memref<10112x128xf32, #tpu.memory_space<vmem_shared>>
        tpu.wait_indirect_dma semaphore(%arg12 : memref<!tpu.dma_semaphore, #tpu.memory_space<semaphore_mem>>) src(%dma_wait3A_155 : memref<128x128xf32, #tpu.memory_space<vmem>>) dst(%dma_wait3A_161 : memref<10112x128xf32, #tpu.memory_space<vmem_shared>>)
      } else {
      }
      %add3A_78 = arith.constant 1 : i32
      %add3A_79 = arith.addi %add3A_75, %add3A_78 : i32
      %dma_start3A_80 = arith.constant 0 : i32
      %dma_start3A_81 = arith.constant 0 : i32
      %dma_start3A_82 = tpu.memref_slice %arg9[%scan3A_47, %dma_start3A_80, %dma_start3A_81] : memref<2x128x128xf32, #tpu.memory_space<vmem>> -> memref<1x128x128xf32, #tpu.memory_space<vmem>>
      %dma_start3A_83 = tpu.memref_squeeze %dma_start3A_82 : memref<1x128x128xf32, #tpu.memory_space<vmem>> -> memref<128x128xf32, #tpu.memory_space<vmem>>
      %dma_start3A_84 = arith.constant 0 : i32
      %dma_start3A_85 = tpu.memref_slice %arg7[%add3A_79, %dma_start3A_84] : memref<80x128xi32, #tpu.memory_space<vmem>> -> memref<1x128xi32, #tpu.memory_space<vmem>>
      %dma_start3A_86 = tpu.memref_squeeze %dma_start3A_85 : memref<1x128xi32, #tpu.memory_space<vmem>> -> memref<128xi32, #tpu.memory_space<vmem>>
      %dma_start3A_87 = arith.constant 0 : i32
      %dma_start3A_88 = arith.constant 0 : i32
      %dma_start3A_89 = tpu.memref_slice %arg2[%dma_start3A_87, %dma_start3A_88] : memref<10000x128xf32, #tpu.memory_space<hbm>> -> memref<10000x128xf32, #tpu.memory_space<hbm>>
      tpu.enqueue_indirect_dma source(%dma_start3A_89 : memref<10000x128xf32, #tpu.memory_space<hbm>>) target(%dma_start3A_83 : memref<128x128xf32, #tpu.memory_space<vmem>>) offsets(%dma_start3A_86 : memref<128xi32, #tpu.memory_space<vmem>>) semaphore(%arg11 : memref<!tpu.dma_semaphore, #tpu.memory_space<semaphore_mem>>)
      %dma_wait3A_90 = arith.constant 0 : i32
      %dma_wait3A_91 = arith.constant 0 : i32
      %dma_wait3A_92 = arith.constant 0 : i32
      %dma_wait3A_93 = tpu.memref_slice %arg9[%scan3A_48, %dma_wait3A_91, %dma_wait3A_92] : memref<2x128x128xf32, #tpu.memory_space<vmem>> -> memref<1x128x128xf32, #tpu.memory_space<vmem>>
      %dma_wait3A_94 = tpu.memref_squeeze %dma_wait3A_93 : memref<1x128x128xf32, #tpu.memory_space<vmem>> -> memref<128x128xf32, #tpu.memory_space<vmem>>
      %dma_wait3A_95 = arith.constant 0 : i32
      %dma_wait3A_96 = tpu.memref_slice %arg7[%dma_wait3A_90, %dma_wait3A_95] : memref<80x128xi32, #tpu.memory_space<vmem>> -> memref<1x128xi32, #tpu.memory_space<vmem>>
      %dma_wait3A_97 = tpu.memref_squeeze %dma_wait3A_96 : memref<1x128xi32, #tpu.memory_space<vmem>> -> memref<128xi32, #tpu.memory_space<vmem>>
      %dma_wait3A_98 = arith.constant 0 : i32
      %dma_wait3A_99 = arith.constant 0 : i32
      %dma_wait3A_100 = tpu.memref_slice %arg2[%dma_wait3A_98, %dma_wait3A_99] : memref<10000x128xf32, #tpu.memory_space<hbm>> -> memref<10000x128xf32, #tpu.memory_space<hbm>>
      tpu.wait_indirect_dma semaphore(%arg11 : memref<!tpu.dma_semaphore, #tpu.memory_space<semaphore_mem>>) src(%dma_wait3A_100 : memref<10000x128xf32, #tpu.memory_space<hbm>>) dst(%dma_wait3A_94 : memref<128x128xf32, #tpu.memory_space<vmem>>)
      %dma_start3A_101 = arith.constant 0 : i32
      %dma_start3A_102 = arith.constant 0 : i32
      %dma_start3A_103 = tpu.memref_slice %arg9[%scan3A_48, %dma_start3A_101, %dma_start3A_102] : memref<2x128x128xf32, #tpu.memory_space<vmem>> -> memref<1x128x128xf32, #tpu.memory_space<vmem>>
      %dma_start3A_104 = tpu.memref_squeeze %dma_start3A_103 : memref<1x128x128xf32, #tpu.memory_space<vmem>> -> memref<128x128xf32, #tpu.memory_space<vmem>>
      %dma_start3A_105 = arith.constant 0 : i32
      %dma_start3A_106 = tpu.memref_slice %arg8[%mul3A_73, %dma_start3A_105] : memref<40x128xi32, #tpu.memory_space<vmem>> -> memref<1x128xi32, #tpu.memory_space<vmem>>
      %dma_start3A_107 = tpu.memref_squeeze %dma_start3A_106 : memref<1x128xi32, #tpu.memory_space<vmem>> -> memref<128xi32, #tpu.memory_space<vmem>>
      %dma_start3A_108 = arith.constant 0 : i32
      %dma_start3A_109 = arith.constant 0 : i32
      %dma_start3A_110 = tpu.memref_slice %arg10[%dma_start3A_108, %dma_start3A_109] : memref<10112x128xf32, #tpu.memory_space<vmem_shared>> -> memref<10112x128xf32, #tpu.memory_space<vmem_shared>>
      tpu.enqueue_indirect_dma source(%dma_start3A_104 : memref<128x128xf32, #tpu.memory_space<vmem>>) target(%dma_start3A_110 : memref<10112x128xf32, #tpu.memory_space<vmem_shared>>) offsets(%dma_start3A_107 : memref<128xi32, #tpu.memory_space<vmem>>) semaphore(%arg12 : memref<!tpu.dma_semaphore, #tpu.memory_space<semaphore_mem>>) {add = true}
      %dma_wait3A_111 = arith.constant 0 : i32
      %dma_wait3A_112 = arith.constant 0 : i32
      %dma_wait3A_113 = arith.constant 0 : i32
      %dma_wait3A_114 = tpu.memref_slice %arg9[%scan3A_48, %dma_wait3A_112, %dma_wait3A_113] : memref<2x128x128xf32, #tpu.memory_space<vmem>> -> memref<1x128x128xf32, #tpu.memory_space<vmem>>
      %dma_wait3A_115 = tpu.memref_squeeze %dma_wait3A_114 : memref<1x128x128xf32, #tpu.memory_space<vmem>> -> memref<128x128xf32, #tpu.memory_space<vmem>>
      %dma_wait3A_116 = arith.constant 0 : i32
      %dma_wait3A_117 = tpu.memref_slice %arg8[%dma_wait3A_111, %dma_wait3A_116] : memref<40x128xi32, #tpu.memory_space<vmem>> -> memref<1x128xi32, #tpu.memory_space<vmem>>
      %dma_wait3A_118 = tpu.memref_squeeze %dma_wait3A_117 : memref<1x128xi32, #tpu.memory_space<vmem>> -> memref<128xi32, #tpu.memory_space<vmem>>
      %dma_wait3A_119 = arith.constant 0 : i32
      %dma_wait3A_120 = arith.constant 0 : i32
      %dma_wait3A_121 = tpu.memref_slice %arg10[%dma_wait3A_119, %dma_wait3A_120] : memref<10112x128xf32, #tpu.memory_space<vmem_shared>> -> memref<10112x128xf32, #tpu.memory_space<vmem_shared>>
      tpu.wait_indirect_dma semaphore(%arg12 : memref<!tpu.dma_semaphore, #tpu.memory_space<semaphore_mem>>) src(%dma_wait3A_115 : memref<128x128xf32, #tpu.memory_space<vmem>>) dst(%dma_wait3A_121 : memref<10112x128xf32, #tpu.memory_space<vmem_shared>>)
      %add3A_122 = arith.constant 1 : i32
      %add3A_123 = arith.addi %scan3A_71, %add3A_122 : i32
      %lt3A = arith.constant 20 : i32
      %lt3A_124 = arith.cmpi slt, %add3A_123, %lt3A : i32
      %convert_element_type3A_125 = arith.extui %lt3A_124 : i1 to i32
      %cond3A_126 = arith.constant 0 : i32
      %cond3A_127 = arith.cmpi ne, %convert_element_type3A_125, %cond3A_126 : i32
      scf.if %cond3A_127 {
        %add3A_151 = arith.constant 2 : i32
        %add3A_152 = arith.addi %add3A_75, %add3A_151 : i32
        %dma_start3A_153 = arith.constant 0 : i32
        %dma_start3A_154 = arith.constant 0 : i32
        %dma_start3A_155 = tpu.memref_slice %arg9[%scan3A_48, %dma_start3A_153, %dma_start3A_154] : memref<2x128x128xf32, #tpu.memory_space<vmem>> -> memref<1x128x128xf32, #tpu.memory_space<vmem>>
        %dma_start3A_156 = tpu.memref_squeeze %dma_start3A_155 : memref<1x128x128xf32, #tpu.memory_space<vmem>> -> memref<128x128xf32, #tpu.memory_space<vmem>>
        %dma_start3A_157 = arith.constant 0 : i32
        %dma_start3A_158 = tpu.memref_slice %arg7[%add3A_152, %dma_start3A_157] : memref<80x128xi32, #tpu.memory_space<vmem>> -> memref<1x128xi32, #tpu.memory_space<vmem>>
        %dma_start3A_159 = tpu.memref_squeeze %dma_start3A_158 : memref<1x128xi32, #tpu.memory_space<vmem>> -> memref<128xi32, #tpu.memory_space<vmem>>
        %dma_start3A_160 = arith.constant 0 : i32
        %dma_start3A_161 = arith.constant 0 : i32
        %dma_start3A_162 = tpu.memref_slice %arg2[%dma_start3A_160, %dma_start3A_161] : memref<10000x128xf32, #tpu.memory_space<hbm>> -> memref<10000x128xf32, #tpu.memory_space<hbm>>
        tpu.enqueue_indirect_dma source(%dma_start3A_162 : memref<10000x128xf32, #tpu.memory_space<hbm>>) target(%dma_start3A_156 : memref<128x128xf32, #tpu.memory_space<vmem>>) offsets(%dma_start3A_159 : memref<128xi32, #tpu.memory_space<vmem>>) semaphore(%arg11 : memref<!tpu.dma_semaphore, #tpu.memory_space<semaphore_mem>>)
      } else {
      }
      %dma_wait3A_128 = arith.constant 0 : i32
      %dma_wait3A_129 = arith.constant 0 : i32
      %dma_wait3A_130 = arith.constant 0 : i32
      %dma_wait3A_131 = tpu.memref_slice %arg9[%scan3A_47, %dma_wait3A_129, %dma_wait3A_130] : memref<2x128x128xf32, #tpu.memory_space<vmem>> -> memref<1x128x128xf32, #tpu.memory_space<vmem>>
      %dma_wait3A_132 = tpu.memref_squeeze %dma_wait3A_131 : memref<1x128x128xf32, #tpu.memory_space<vmem>> -> memref<128x128xf32, #tpu.memory_space<vmem>>
      %dma_wait3A_133 = arith.constant 0 : i32
      %dma_wait3A_134 = tpu.memref_slice %arg7[%dma_wait3A_128, %dma_wait3A_133] : memref<80x128xi32, #tpu.memory_space<vmem>> -> memref<1x128xi32, #tpu.memory_space<vmem>>
      %dma_wait3A_135 = tpu.memref_squeeze %dma_wait3A_134 : memref<1x128xi32, #tpu.memory_space<vmem>> -> memref<128xi32, #tpu.memory_space<vmem>>
      %dma_wait3A_136 = arith.constant 0 : i32
      %dma_wait3A_137 = arith.constant 0 : i32
      %dma_wait3A_138 = tpu.memref_slice %arg2[%dma_wait3A_136, %dma_wait3A_137] : memref<10000x128xf32, #tpu.memory_space<hbm>> -> memref<10000x128xf32, #tpu.memory_space<hbm>>
      tpu.wait_indirect_dma semaphore(%arg11 : memref<!tpu.dma_semaphore, #tpu.memory_space<semaphore_mem>>) src(%dma_wait3A_138 : memref<10000x128xf32, #tpu.memory_space<hbm>>) dst(%dma_wait3A_132 : memref<128x128xf32, #tpu.memory_space<vmem>>)
      %add3A_139 = arith.constant 1 : i32
      %add3A_140 = arith.addi %mul3A_73, %add3A_139 : i32
      %dma_start3A_141 = arith.constant 0 : i32
      %dma_start3A_142 = arith.constant 0 : i32
      %dma_start3A_143 = tpu.memref_slice %arg9[%scan3A_47, %dma_start3A_141, %dma_start3A_142] : memref<2x128x128xf32, #tpu.memory_space<vmem>> -> memref<1x128x128xf32, #tpu.memory_space<vmem>>
      %dma_start3A_144 = tpu.memref_squeeze %dma_start3A_143 : memref<1x128x128xf32, #tpu.memory_space<vmem>> -> memref<128x128xf32, #tpu.memory_space<vmem>>
      %dma_start3A_145 = arith.constant 0 : i32
      %dma_start3A_146 = tpu.memref_slice %arg8[%add3A_140, %dma_start3A_145] : memref<40x128xi32, #tpu.memory_space<vmem>> -> memref<1x128xi32, #tpu.memory_space<vmem>>
      %dma_start3A_147 = tpu.memref_squeeze %dma_start3A_146 : memref<1x128xi32, #tpu.memory_space<vmem>> -> memref<128xi32, #tpu.memory_space<vmem>>
      %dma_start3A_148 = arith.constant 0 : i32
      %dma_start3A_149 = arith.constant 0 : i32
      %dma_start3A_150 = tpu.memref_slice %arg10[%dma_start3A_148, %dma_start3A_149] : memref<10112x128xf32, #tpu.memory_space<vmem_shared>> -> memref<10112x128xf32, #tpu.memory_space<vmem_shared>>
      tpu.enqueue_indirect_dma source(%dma_start3A_144 : memref<128x128xf32, #tpu.memory_space<vmem>>) target(%dma_start3A_150 : memref<10112x128xf32, #tpu.memory_space<vmem_shared>>) offsets(%dma_start3A_147 : memref<128xi32, #tpu.memory_space<vmem>>) semaphore(%arg12 : memref<!tpu.dma_semaphore, #tpu.memory_space<semaphore_mem>>) {add = true}
    }
    %scan3A_53 = arith.constant 20 : i32
    %dma_wait3A_54 = arith.constant 1 : i32
    %dma_wait3A_55 = arith.constant 0 : i32
    %dma_wait3A_56 = arith.constant 0 : i32
    %dma_wait3A_57 = arith.constant 0 : i32
    %dma_wait3A_58 = tpu.memref_slice %arg9[%dma_wait3A_54, %dma_wait3A_56, %dma_wait3A_57] : memref<2x128x128xf32, #tpu.memory_space<vmem>> -> memref<1x128x128xf32, #tpu.memory_space<vmem>>
    %dma_wait3A_59 = tpu.memref_squeeze %dma_wait3A_58 : memref<1x128x128xf32, #tpu.memory_space<vmem>> -> memref<128x128xf32, #tpu.memory_space<vmem>>
    %dma_wait3A_60 = arith.constant 0 : i32
    %dma_wait3A_61 = tpu.memref_slice %arg8[%dma_wait3A_55, %dma_wait3A_60] : memref<40x128xi32, #tpu.memory_space<vmem>> -> memref<1x128xi32, #tpu.memory_space<vmem>>
    %dma_wait3A_62 = tpu.memref_squeeze %dma_wait3A_61 : memref<1x128xi32, #tpu.memory_space<vmem>> -> memref<128xi32, #tpu.memory_space<vmem>>
    %dma_wait3A_63 = arith.constant 0 : i32
    %dma_wait3A_64 = arith.constant 0 : i32
    %dma_wait3A_65 = tpu.memref_slice %arg10[%dma_wait3A_63, %dma_wait3A_64] : memref<10112x128xf32, #tpu.memory_space<vmem_shared>> -> memref<10112x128xf32, #tpu.memory_space<vmem_shared>>
    tpu.wait_indirect_dma semaphore(%arg12 : memref<!tpu.dma_semaphore, #tpu.memory_space<semaphore_mem>>) src(%dma_wait3A_59 : memref<128x128xf32, #tpu.memory_space<vmem>>) dst(%dma_wait3A_65 : memref<10112x128xf32, #tpu.memory_space<vmem_shared>>)
    %barrier3A_66 = arith.constant 0 : index
    tpu.barrier barrier_id(%barrier3A_66)
    %mul3A_67 = arith.constant 632 : i32
    %mul3A_68 = arith.muli %arg1, %mul3A_67 : i32
    %mul3A_69 = arith.constant 632 : i32
    %mul3A_70 = arith.muli %arg1, %mul3A_69 : i32
    "tpu.region"() ({
      %run_scoped3A = tpu.sem_alloc : memref<!tpu.dma_semaphore, #tpu.memory_space<semaphore_mem>>
      %dma_start3A_71 = arith.constant 0 : i32
      %dma_start3A_72 = tpu.memref_slice %arg6[%arg0, %mul3A_70, %dma_start3A_71] : memref<2x10112x128xf32, #tpu.memory_space<hbm>> -> memref<1x632x128xf32, #tpu.memory_space<hbm>>
      %dma_start3A_73 = tpu.memref_squeeze %dma_start3A_72 : memref<1x632x128xf32, #tpu.memory_space<hbm>> -> memref<632x128xf32, #tpu.memory_space<hbm>>
      %dma_start3A_74 = arith.constant 0 : i32
      %dma_start3A_75 = tpu.memref_slice %arg10[%mul3A_68, %dma_start3A_74] : memref<10112x128xf32, #tpu.memory_space<vmem_shared>> -> memref<632x128xf32, #tpu.memory_space<vmem_shared>>
      tpu.enqueue_dma source(%dma_start3A_75 : memref<632x128xf32, #tpu.memory_space<vmem_shared>>) target(%dma_start3A_73 : memref<632x128xf32, #tpu.memory_space<hbm>>) target_semaphore(%run_scoped3A : memref<!tpu.dma_semaphore, #tpu.memory_space<semaphore_mem>>)
      %dma_wait3A_76 = arith.constant 0 : i32
      %dma_wait3A_77 = tpu.memref_slice %arg6[%arg0, %mul3A_70, %dma_wait3A_76] : memref<2x10112x128xf32, #tpu.memory_space<hbm>> -> memref<1x632x128xf32, #tpu.memory_space<hbm>>
      %dma_wait3A_78 = tpu.memref_squeeze %dma_wait3A_77 : memref<1x632x128xf32, #tpu.memory_space<hbm>> -> memref<632x128xf32, #tpu.memory_space<hbm>>
      %dma_wait3A_79 = arith.constant 0 : i32
      %dma_wait3A_80 = tpu.memref_slice %arg10[%mul3A_68, %dma_wait3A_79] : memref<10112x128xf32, #tpu.memory_space<vmem_shared>> -> memref<632x128xf32, #tpu.memory_space<vmem_shared>>
      tpu.wait_dma2 semaphore(%run_scoped3A : memref<!tpu.dma_semaphore, #tpu.memory_space<semaphore_mem>>) src(%dma_wait3A_80 : memref<632x128xf32, #tpu.memory_space<vmem_shared>>) dst(%dma_wait3A_78 : memref<632x128xf32, #tpu.memory_space<hbm>>)
      tpu.yield
    }) : () -> ()
    return
  }
}

module attributes {stable_mosaic.version = 14 : i64} {
  func.func @_tc0_body(%arg0: i32, %arg1: memref<2000x128xf32, #tpu.memory_space<vmem>>, %arg2: memref<128x128xf32, #tpu.memory_space<vmem>>, %arg3: memref<2000x128xf32, #tpu.memory_space<vmem>>) attributes {dimension_semantics = [#tpu.dimension_semantics<arbitrary>], iteration_bounds = array<i64: 5>, scalar_prefetch = 0 : i64, scratch_operands = 0 : i64, tpu.core_type = #tpu.core_type<tc>, window_params = [{transform_indices = @transform_0, window_bounds = array<i64: 2000, 128>}, {pipeline_mode = #tpu.pipeline_mode<synchronous>, transform_indices = @transform_1, window_bounds = array<i64: 128, 128>}, {transform_indices = @transform_2, window_bounds = array<i64: 2000, 128>}]} {
    %get3A = arith.constant 0 : index
    %get3A_0 = arith.constant 0 : index
    %get3A_1 = vector.load %arg1[%get3A, %get3A_0] : memref<2000x128xf32, #tpu.memory_space<vmem>>, vector<2000x128xf32>
    %get3A_2 = arith.constant 0 : index
    %get3A_3 = arith.constant 0 : index
    %get3A_4 = vector.load %arg2[%get3A_2, %get3A_3] : memref<128x128xf32, #tpu.memory_space<vmem>>, vector<128x128xf32>
    %dot_general3A = arith.constant dense<0.000000e+00> : vector<2000x128xf32>
    %dot_general3A_5 = tpu.matmul %get3A_1, %get3A_4, %dot_general3A {dimension_numbers = #tpu.dot_dimension_numbers<[1], [0], [0], [1], [0, 0, 1, 1], [], []>, transpose_lhs_hint = false} : vector<2000x128xf32>, vector<128x128xf32>, vector<2000x128xf32> -> vector<2000x128xf32>
    %swap3A = arith.constant 0 : index
    %swap3A_6 = arith.constant 0 : index
    %swap3A_7 = vector.load %arg3[%swap3A, %swap3A_6] : memref<2000x128xf32, #tpu.memory_space<vmem>>, vector<2000x128xf32>
    tpu.vector_store %arg3[%swap3A, %swap3A_6], %dot_general3A_5 {strides = array<i32>} : memref<2000x128xf32, #tpu.memory_space<vmem>>, vector<2000x128xf32>,
    return
  }
  func.func @transform_0(%arg0: i32) -> (i32, i32) {
    %c0_i32 = arith.constant 0 : i32
    %c0_i32_0 = arith.constant 0 : i32
    return %arg0, %c0_i32 : i32, i32
  }
  func.func @transform_1(%arg0: i32) -> (i32, i32) {
    %c0_i32 = arith.constant 0 : i32
    %c0_i32_0 = arith.constant 0 : i32
    %c0_i32_1 = arith.constant 0 : i32
    return %c0_i32, %c0_i32_0 : i32, i32
  }
  func.func @transform_2(%arg0: i32) -> (i32, i32) {
    %c0_i32 = arith.constant 0 : i32
    %c0_i32_0 = arith.constant 0 : i32
    return %arg0, %c0_i32 : i32, i32
  }
}

module attributes {stable_mosaic.version = 14 : i64} {
  func.func @_tc1_body(%arg0: i32, %arg1: memref<2000x128xf32, #tpu.memory_space<vmem>>, %arg2: memref<2000x2xf32, #tpu.memory_space<vmem>>, %arg3: memref<2000x128xf32, #tpu.memory_space<vmem>>) attributes {dimension_semantics = [#tpu.dimension_semantics<arbitrary>], iteration_bounds = array<i64: 5>, scalar_prefetch = 0 : i64, scratch_operands = 0 : i64, tpu.core_type = #tpu.core_type<tc>, window_params = [{transform_indices = @transform_0, window_bounds = array<i64: 2000, 128>}, {transform_indices = @transform_1, window_bounds = array<i64: 2000, 2>}, {transform_indices = @transform_2, window_bounds = array<i64: 2000, 128>}]} {
    %get3A = arith.constant 0 : index
    %get3A_0 = arith.constant 0 : index
    %get3A_1 = vector.load %arg1[%get3A, %get3A_0] : memref<2000x128xf32, #tpu.memory_space<vmem>>, vector<2000x128xf32>
    %get3A_2 = arith.constant 0 : index
    %get3A_3 = arith.constant 0 : index
    %get3A_4 = vector.load %arg2[%get3A_2, %get3A_3] : memref<2000x2xf32, #tpu.memory_space<vmem>>, vector<2000x2xf32>
    %slice3A = vector.extract_strided_slice %get3A_4 {offsets = [0, 0], sizes = [2000, 1], strides = [1, 1]} : vector<2000x2xf32> to vector<2000x1xf32>
    %slice3A_5 = vector.extract_strided_slice %get3A_4 {offsets = [0, 1], sizes = [2000, 1], strides = [1, 1]} : vector<2000x2xf32> to vector<2000x1xf32>
    %add3A = arith.addf %slice3A, %slice3A_5 : vector<2000x1xf32>
    %add3A_6 = arith.constant 1.000000e+00 : f32
    %add3A_7 = vector.broadcast %add3A_6 : f32 to vector<2000x1xf32>
    %add3A_8 = arith.addf %add3A, %add3A_7 : vector<2000x1xf32>
    %rsqrt3A = math.rsqrt %add3A_8 : vector<2000x1xf32>
    %mul3A = vector.broadcast %rsqrt3A : vector<2000x1xf32> to vector<2000x128xf32>
    %mul3A_9 = arith.mulf %get3A_1, %mul3A : vector<2000x128xf32>
    %swap3A = arith.constant 0 : index
    %swap3A_10 = arith.constant 0 : index
    %swap3A_11 = vector.load %arg3[%swap3A, %swap3A_10] : memref<2000x128xf32, #tpu.memory_space<vmem>>, vector<2000x128xf32>
    tpu.vector_store %arg3[%swap3A, %swap3A_10], %mul3A_9 {strides = array<i32>} : memref<2000x128xf32, #tpu.memory_space<vmem>>, vector<2000x128xf32>,
    return
  }
  func.func @transform_0(%arg0: i32) -> (i32, i32) {
    %c0_i32 = arith.constant 0 : i32
    %c0_i32_0 = arith.constant 0 : i32
    return %arg0, %c0_i32 : i32, i32
  }
  func.func @transform_1(%arg0: i32) -> (i32, i32) {
    %c0_i32 = arith.constant 0 : i32
    %c0_i32_0 = arith.constant 0 : i32
    return %arg0, %c0_i32 : i32, i32
  }
  func.func @transform_2(%arg0: i32) -> (i32, i32) {
    %c0_i32 = arith.constant 0 : i32
    %c0_i32_0 = arith.constant 0 : i32
    return %arg0, %c0_i32 : i32, i32
  }
}

module attributes {stable_mosaic.version = 14 : i64} {
  func.func @_tc2_body(%arg0: i32, %arg1: memref<2x2000x128xf32, #tpu.memory_space<vmem>>, %arg2: memref<2000x128xf32, #tpu.memory_space<vmem>>, %arg3: memref<2000x2xf32, #tpu.memory_space<vmem>>, %arg4: memref<128x128xf32, #tpu.memory_space<vmem>>, %arg5: memref<2000x128xf32, #tpu.memory_space<vmem>>) attributes {dimension_semantics = [#tpu.dimension_semantics<arbitrary>], iteration_bounds = array<i64: 5>, scalar_prefetch = 0 : i64, scratch_operands = 0 : i64, tpu.core_type = #tpu.core_type<tc>, window_params = [{transform_indices = @transform_0, window_bounds = array<i64: 2, 2000, 128>}, {transform_indices = @transform_1, window_bounds = array<i64: 2000, 128>}, {transform_indices = @transform_2, window_bounds = array<i64: 2000, 2>}, {pipeline_mode = #tpu.pipeline_mode<synchronous>, transform_indices = @transform_3, window_bounds = array<i64: 128, 128>}, {transform_indices = @transform_4, window_bounds = array<i64: 2000, 128>}]} {
    %get3A = arith.constant 0 : index
    %get3A_0 = arith.constant 0 : index
    %get3A_1 = vector.load %arg3[%get3A, %get3A_0] : memref<2000x2xf32, #tpu.memory_space<vmem>>, vector<2000x2xf32>
    %slice3A = vector.extract_strided_slice %get3A_1 {offsets = [0, 0], sizes = [2000, 1], strides = [1, 1]} : vector<2000x2xf32> to vector<2000x1xf32>
    %slice3A_2 = vector.extract_strided_slice %get3A_1 {offsets = [0, 1], sizes = [2000, 1], strides = [1, 1]} : vector<2000x2xf32> to vector<2000x1xf32>
    %add3A = arith.addf %slice3A, %slice3A_2 : vector<2000x1xf32>
    %add3A_3 = arith.constant 1.000000e+00 : f32
    %add3A_4 = vector.broadcast %add3A_3 : f32 to vector<2000x1xf32>
    %add3A_5 = arith.addf %add3A, %add3A_4 : vector<2000x1xf32>
    %rsqrt3A = math.rsqrt %add3A_5 : vector<2000x1xf32>
    %get3A_6 = arith.constant 0 : index
    %get3A_7 = arith.constant 0 : index
    %get3A_8 = arith.constant 0 : index
    %get3A_9 = vector.load %arg1[%get3A_6, %get3A_7, %get3A_8] : memref<2x2000x128xf32, #tpu.memory_space<vmem>>, vector<1x2000x128xf32>
    %get3A_10 = vector.shape_cast %get3A_9 : vector<1x2000x128xf32> to vector<2000x128xf32>
    %get3A_11 = arith.constant 1 : index
    %get3A_12 = arith.constant 0 : index
    %get3A_13 = arith.constant 0 : index
    %get3A_14 = vector.load %arg1[%get3A_11, %get3A_12, %get3A_13] : memref<2x2000x128xf32, #tpu.memory_space<vmem>>, vector<1x2000x128xf32>
    %get3A_15 = vector.shape_cast %get3A_14 : vector<1x2000x128xf32> to vector<2000x128xf32>
    %add3A_16 = arith.addf %get3A_10, %get3A_15 : vector<2000x128xf32>
    %get3A_17 = arith.constant 0 : index
    %get3A_18 = arith.constant 0 : index
    %get3A_19 = vector.load %arg2[%get3A_17, %get3A_18] : memref<2000x128xf32, #tpu.memory_space<vmem>>, vector<2000x128xf32>
    %add3A_20 = arith.addf %add3A_16, %get3A_19 : vector<2000x128xf32>
    %mul3A = vector.broadcast %rsqrt3A : vector<2000x1xf32> to vector<2000x128xf32>
    %mul3A_21 = arith.mulf %mul3A, %add3A_20 : vector<2000x128xf32>
    %max3A = arith.constant 0.000000e+00 : f32
    %max3A_22 = vector.broadcast %max3A : f32 to vector<2000x128xf32>
    %max3A_23 = arith.maximumf %mul3A_21, %max3A_22 : vector<2000x128xf32>
    %abs3A = math.absf %mul3A_21 : vector<2000x128xf32>
    %neg3A = arith.constant 0.000000e+00 : f32
    %neg3A_24 = vector.broadcast %neg3A : f32 to vector<2000x128xf32>
    %neg3A_25 = arith.subf %neg3A_24, %abs3A : vector<2000x128xf32>
    %exp3A = math.exp %neg3A_25 : vector<2000x128xf32>
    %log1p3A = math.log1p %exp3A : vector<2000x128xf32>
    %add3A_26 = arith.addf %max3A_23, %log1p3A : vector<2000x128xf32>
    %get3A_27 = arith.constant 0 : index
    %get3A_28 = arith.constant 0 : index
    %get3A_29 = vector.load %arg4[%get3A_27, %get3A_28] : memref<128x128xf32, #tpu.memory_space<vmem>>, vector<128x128xf32>
    %dot_general3A = arith.constant dense<0.000000e+00> : vector<2000x128xf32>
    %dot_general3A_30 = tpu.matmul %add3A_26, %get3A_29, %dot_general3A {dimension_numbers = #tpu.dot_dimension_numbers<[1], [0], [0], [1], [0, 0, 1, 1], [], []>, transpose_lhs_hint = false} : vector<2000x128xf32>, vector<128x128xf32>, vector<2000x128xf32> -> vector<2000x128xf32>
    %mul3A_31 = vector.broadcast %rsqrt3A : vector<2000x1xf32> to vector<2000x128xf32>
    %mul3A_32 = arith.mulf %dot_general3A_30, %mul3A_31 : vector<2000x128xf32>
    %swap3A = arith.constant 0 : index
    %swap3A_33 = arith.constant 0 : index
    %swap3A_34 = vector.load %arg5[%swap3A, %swap3A_33] : memref<2000x128xf32, #tpu.memory_space<vmem>>, vector<2000x128xf32>
    tpu.vector_store %arg5[%swap3A, %swap3A_33], %mul3A_32 {strides = array<i32>} : memref<2000x128xf32, #tpu.memory_space<vmem>>, vector<2000x128xf32>,
    return
  }
  func.func @transform_0(%arg0: i32) -> (i32, i32, i32) {
    %c0_i32 = arith.constant 0 : i32
    %c0_i32_0 = arith.constant 0 : i32
    %c0_i32_1 = arith.constant 0 : i32
    return %c0_i32, %arg0, %c0_i32_0 : i32, i32, i32
  }
  func.func @transform_1(%arg0: i32) -> (i32, i32) {
    %c0_i32 = arith.constant 0 : i32
    %c0_i32_0 = arith.constant 0 : i32
    return %arg0, %c0_i32 : i32, i32
  }
  func.func @transform_2(%arg0: i32) -> (i32, i32) {
    %c0_i32 = arith.constant 0 : i32
    %c0_i32_0 = arith.constant 0 : i32
    return %arg0, %c0_i32 : i32, i32
  }
  func.func @transform_3(%arg0: i32) -> (i32, i32) {
    %c0_i32 = arith.constant 0 : i32
    %c0_i32_0 = arith.constant 0 : i32
    %c0_i32_1 = arith.constant 0 : i32
    return %c0_i32, %c0_i32_0 : i32, i32
  }
  func.func @transform_4(%arg0: i32) -> (i32, i32) {
    %c0_i32 = arith.constant 0 : i32
    %c0_i32_0 = arith.constant 0 : i32
    return %arg0, %c0_i32 : i32, i32
  }
}

module attributes {stable_mosaic.version = 14 : i64} {
  func.func @_tc3_body(%arg0: i32, %arg1: memref<2x2000x128xf32, #tpu.memory_space<vmem>>, %arg2: memref<2000x128xf32, #tpu.memory_space<vmem>>, %arg3: memref<2000x2xf32, #tpu.memory_space<vmem>>, %arg4: memref<2000x64xf32, #tpu.memory_space<vmem>>, %arg5: memref<2000x64xf32, #tpu.memory_space<vmem>>, %arg6: memref<2000x1xf32, #tpu.memory_space<vmem>>) attributes {dimension_semantics = [#tpu.dimension_semantics<arbitrary>], iteration_bounds = array<i64: 5>, scalar_prefetch = 0 : i64, scratch_operands = 0 : i64, tpu.core_type = #tpu.core_type<tc>, window_params = [{transform_indices = @transform_0, window_bounds = array<i64: 2, 2000, 128>}, {transform_indices = @transform_1, window_bounds = array<i64: 2000, 128>}, {transform_indices = @transform_2, window_bounds = array<i64: 2000, 2>}, {transform_indices = @transform_3, window_bounds = array<i64: 2000, 64>}, {transform_indices = @transform_4, window_bounds = array<i64: 2000, 64>}, {transform_indices = @transform_5, window_bounds = array<i64: 2000, 1>}]} {
    %get3A = arith.constant 0 : index
    %get3A_0 = arith.constant 0 : index
    %get3A_1 = vector.load %arg3[%get3A, %get3A_0] : memref<2000x2xf32, #tpu.memory_space<vmem>>, vector<2000x2xf32>
    %slice3A = vector.extract_strided_slice %get3A_1 {offsets = [0, 0], sizes = [2000, 1], strides = [1, 1]} : vector<2000x2xf32> to vector<2000x1xf32>
    %slice3A_2 = vector.extract_strided_slice %get3A_1 {offsets = [0, 1], sizes = [2000, 1], strides = [1, 1]} : vector<2000x2xf32> to vector<2000x1xf32>
    %add3A = arith.addf %slice3A, %slice3A_2 : vector<2000x1xf32>
    %add3A_3 = arith.constant 1.000000e+00 : f32
    %add3A_4 = vector.broadcast %add3A_3 : f32 to vector<2000x1xf32>
    %add3A_5 = arith.addf %add3A, %add3A_4 : vector<2000x1xf32>
    %rsqrt3A = math.rsqrt %add3A_5 : vector<2000x1xf32>
    %get3A_6 = arith.constant 0 : index
    %get3A_7 = arith.constant 0 : index
    %get3A_8 = arith.constant 0 : index
    %get3A_9 = vector.load %arg1[%get3A_6, %get3A_7, %get3A_8] : memref<2x2000x128xf32, #tpu.memory_space<vmem>>, vector<1x2000x128xf32>
    %get3A_10 = vector.shape_cast %get3A_9 : vector<1x2000x128xf32> to vector<2000x128xf32>
    %get3A_11 = arith.constant 1 : index
    %get3A_12 = arith.constant 0 : index
    %get3A_13 = arith.constant 0 : index
    %get3A_14 = vector.load %arg1[%get3A_11, %get3A_12, %get3A_13] : memref<2x2000x128xf32, #tpu.memory_space<vmem>>, vector<1x2000x128xf32>
    %get3A_15 = vector.shape_cast %get3A_14 : vector<1x2000x128xf32> to vector<2000x128xf32>
    %add3A_16 = arith.addf %get3A_10, %get3A_15 : vector<2000x128xf32>
    %get3A_17 = arith.constant 0 : index
    %get3A_18 = arith.constant 0 : index
    %get3A_19 = vector.load %arg2[%get3A_17, %get3A_18] : memref<2000x128xf32, #tpu.memory_space<vmem>>, vector<2000x128xf32>
    %add3A_20 = arith.addf %add3A_16, %get3A_19 : vector<2000x128xf32>
    %mul3A = vector.broadcast %rsqrt3A : vector<2000x1xf32> to vector<2000x128xf32>
    %mul3A_21 = arith.mulf %mul3A, %add3A_20 : vector<2000x128xf32>
    %max3A = arith.constant 0.000000e+00 : f32
    %max3A_22 = vector.broadcast %max3A : f32 to vector<2000x128xf32>
    %max3A_23 = arith.maximumf %mul3A_21, %max3A_22 : vector<2000x128xf32>
    %abs3A = math.absf %mul3A_21 : vector<2000x128xf32>
    %neg3A = arith.constant 0.000000e+00 : f32
    %neg3A_24 = vector.broadcast %neg3A : f32 to vector<2000x128xf32>
    %neg3A_25 = arith.subf %neg3A_24, %abs3A : vector<2000x128xf32>
    %exp3A = math.exp %neg3A_25 : vector<2000x128xf32>
    %log1p3A = math.log1p %exp3A : vector<2000x128xf32>
    %add3A_26 = arith.addf %max3A_23, %log1p3A : vector<2000x128xf32>
    %slice3A_27 = vector.extract_strided_slice %add3A_26 {offsets = [0, 0], sizes = [2000, 64], strides = [1, 1]} : vector<2000x128xf32> to vector<2000x64xf32>
    %slice3A_28 = vector.extract_strided_slice %add3A_26 {offsets = [0, 64], sizes = [2000, 1], strides = [1, 1]} : vector<2000x128xf32> to vector<2000x1xf32>
    %add3A_29 = arith.constant 1.000000e-01 : f32
    %add3A_30 = vector.broadcast %add3A_29 : f32 to vector<2000x1xf32>
    %add3A_31 = arith.addf %slice3A_28, %add3A_30 : vector<2000x1xf32>
    %div3A = arith.constant 1.000000e+00 : f32
    %div3A_32 = vector.broadcast %div3A : f32 to vector<2000x1xf32>
    %div3A_33 = arith.divf %div3A_32, %add3A_31 : vector<2000x1xf32>
    %broadcast_in_dim3A = arith.constant 1.000000e+00 : f32
    %broadcast_in_dim3A_34 = vector.broadcast %broadcast_in_dim3A : f32 to vector<2000x1xf32>
    %broadcast_in_dim3A_35 = arith.constant 1.000000e+00 : f32
    %broadcast_in_dim3A_36 = vector.broadcast %broadcast_in_dim3A_35 : f32 to vector<2000x1xf32>
    %mul3A_37 = arith.mulf %broadcast_in_dim3A_34, %div3A_33 : vector<2000x1xf32>
    %add3A_38 = arith.constant 60.4583321 : f32
    %add3A_39 = vector.broadcast %add3A_38 : f32 to vector<2000x1xf32>
    %add3A_40 = arith.addf %mul3A_37, %add3A_39 : vector<2000x1xf32>
    %mul3A_41 = arith.mulf %broadcast_in_dim3A_36, %div3A_33 : vector<2000x1xf32>
    %add3A_42 = arith.constant 3.600000e+01 : f32
    %add3A_43 = vector.broadcast %add3A_42 : f32 to vector<2000x1xf32>
    %add3A_44 = arith.addf %mul3A_41, %add3A_43 : vector<2000x1xf32>
    %mul3A_45 = arith.mulf %add3A_40, %div3A_33 : vector<2000x1xf32>
    %add3A_46 = arith.constant 1599.04248 : f32
    %add3A_47 = vector.broadcast %add3A_46 : f32 to vector<2000x1xf32>
    %add3A_48 = arith.addf %mul3A_45, %add3A_47 : vector<2000x1xf32>
    %mul3A_49 = arith.mulf %add3A_44, %div3A_33 : vector<2000x1xf32>
    %add3A_50 = arith.constant 5.460000e+02 : f32
    %add3A_51 = vector.broadcast %add3A_50 : f32 to vector<2000x1xf32>
    %add3A_52 = arith.addf %mul3A_49, %add3A_51 : vector<2000x1xf32>
    %mul3A_53 = arith.mulf %add3A_48, %div3A_33 : vector<2000x1xf32>
    %add3A_54 = arith.constant 24165.5098 : f32
    %add3A_55 = vector.broadcast %add3A_54 : f32 to vector<2000x1xf32>
    %add3A_56 = arith.addf %mul3A_53, %add3A_55 : vector<2000x1xf32>
    %mul3A_57 = arith.mulf %add3A_52, %div3A_33 : vector<2000x1xf32>
    %add3A_58 = arith.constant 4.536000e+03 : f32
    %add3A_59 = vector.broadcast %add3A_58 : f32 to vector<2000x1xf32>
    %add3A_60 = arith.addf %mul3A_57, %add3A_59 : vector<2000x1xf32>
    %mul3A_61 = arith.mulf %add3A_56, %div3A_33 : vector<2000x1xf32>
    %add3A_62 = arith.constant 228235.219 : f32
    %add3A_63 = vector.broadcast %add3A_62 : f32 to vector<2000x1xf32>
    %add3A_64 = arith.addf %mul3A_61, %add3A_63 : vector<2000x1xf32>
    %mul3A_65 = arith.mulf %add3A_60, %div3A_33 : vector<2000x1xf32>
    %add3A_66 = arith.constant 2.244900e+04 : f32
    %add3A_67 = vector.broadcast %add3A_66 : f32 to vector<2000x1xf32>
    %add3A_68 = arith.addf %mul3A_65, %add3A_67 : vector<2000x1xf32>
    %mul3A_69 = arith.mulf %add3A_64, %div3A_33 : vector<2000x1xf32>
    %add3A_70 = arith.constant 1379496.25 : f32
    %add3A_71 = vector.broadcast %add3A_70 : f32 to vector<2000x1xf32>
    %add3A_72 = arith.addf %mul3A_69, %add3A_71 : vector<2000x1xf32>
    %mul3A_73 = arith.mulf %add3A_68, %div3A_33 : vector<2000x1xf32>
    %add3A_74 = arith.constant 6.728400e+04 : f32
    %add3A_75 = vector.broadcast %add3A_74 : f32 to vector<2000x1xf32>
    %add3A_76 = arith.addf %mul3A_73, %add3A_75 : vector<2000x1xf32>
    %mul3A_77 = arith.mulf %add3A_72, %div3A_33 : vector<2000x1xf32>
    %add3A_78 = arith.constant 0x4A9F05EA : f32
    %add3A_79 = vector.broadcast %add3A_78 : f32 to vector<2000x1xf32>
    %add3A_80 = arith.addf %mul3A_77, %add3A_79 : vector<2000x1xf32>
    %mul3A_81 = arith.mulf %add3A_76, %div3A_33 : vector<2000x1xf32>
    %add3A_82 = arith.constant 1.181240e+05 : f32
    %add3A_83 = vector.broadcast %add3A_82 : f32 to vector<2000x1xf32>
    %add3A_84 = arith.addf %mul3A_81, %add3A_83 : vector<2000x1xf32>
    %mul3A_85 = arith.mulf %add3A_80, %div3A_33 : vector<2000x1xf32>
    %add3A_86 = arith.constant 0x4B2B9D51 : f32
    %add3A_87 = vector.broadcast %add3A_86 : f32 to vector<2000x1xf32>
    %add3A_88 = arith.addf %mul3A_85, %add3A_87 : vector<2000x1xf32>
    %mul3A_89 = arith.mulf %add3A_84, %div3A_33 : vector<2000x1xf32>
    %add3A_90 = arith.constant 1.095840e+05 : f32
    %add3A_91 = vector.broadcast %add3A_90 : f32 to vector<2000x1xf32>
    %add3A_92 = arith.addf %mul3A_89, %add3A_91 : vector<2000x1xf32>
    %mul3A_93 = arith.mulf %add3A_88, %div3A_33 : vector<2000x1xf32>
    %add3A_94 = arith.constant 0x4B220ADA : f32
    %add3A_95 = vector.broadcast %add3A_94 : f32 to vector<2000x1xf32>
    %add3A_96 = arith.addf %mul3A_93, %add3A_95 : vector<2000x1xf32>
    %mul3A_97 = arith.mulf %add3A_92, %div3A_33 : vector<2000x1xf32>
    %add3A_98 = arith.constant 4.032000e+04 : f32
    %add3A_99 = vector.broadcast %add3A_98 : f32 to vector<2000x1xf32>
    %add3A_100 = arith.addf %mul3A_97, %add3A_99 : vector<2000x1xf32>
    %add3A_101 = arith.constant 7.500000e+00 : f32
    %add3A_102 = vector.broadcast %add3A_101 : f32 to vector<2000x1xf32>
    %add3A_103 = arith.addf %div3A_33, %add3A_102 : vector<2000x1xf32>
    %add3A_104 = arith.constant 5.000000e-01 : f32
    %add3A_105 = vector.broadcast %add3A_104 : f32 to vector<2000x1xf32>
    %add3A_106 = arith.addf %div3A_33, %add3A_105 : vector<2000x1xf32>
    %log3A = math.log %add3A_103 : vector<2000x1xf32>
    %mul3A_107 = arith.mulf %add3A_106, %log3A : vector<2000x1xf32>
    %add3A_108 = arith.constant 0.918938517 : f32
    %add3A_109 = vector.broadcast %add3A_108 : f32 to vector<2000x1xf32>
    %add3A_110 = arith.addf %add3A_109, %mul3A_107 : vector<2000x1xf32>
    %sub3A = arith.subf %add3A_110, %add3A_103 : vector<2000x1xf32>
    %log3A_111 = math.log %add3A_96 : vector<2000x1xf32>
    %add3A_112 = arith.addf %sub3A, %log3A_111 : vector<2000x1xf32>
    %log3A_113 = math.log %add3A_100 : vector<2000x1xf32>
    %sub3A_114 = arith.subf %add3A_112, %log3A_113 : vector<2000x1xf32>
    %exp3A_115 = math.exp %sub3A_114 : vector<2000x1xf32>
    %mul3A_116 = vector.broadcast %exp3A_115 : vector<2000x1xf32> to vector<2000x64xf32>
    %mul3A_117 = arith.mulf %slice3A_27, %mul3A_116 : vector<2000x64xf32>
    %swap3A = arith.constant 0 : index
    %swap3A_118 = arith.constant 0 : index
    %swap3A_119 = vector.load %arg4[%swap3A, %swap3A_118] : memref<2000x64xf32, #tpu.memory_space<vmem>>, vector<2000x64xf32>
    tpu.vector_store %arg4[%swap3A, %swap3A_118], %mul3A_117 {strides = array<i32>} : memref<2000x64xf32, #tpu.memory_space<vmem>>, vector<2000x64xf32>,
    %swap3A_120 = arith.constant 0 : index
    %swap3A_121 = arith.constant 0 : index
    %swap3A_122 = vector.load %arg5[%swap3A_120, %swap3A_121] : memref<2000x64xf32, #tpu.memory_space<vmem>>, vector<2000x64xf32>
    tpu.vector_store %arg5[%swap3A_120, %swap3A_121], %slice3A_27 {strides = array<i32>} : memref<2000x64xf32, #tpu.memory_space<vmem>>, vector<2000x64xf32>,
    %swap3A_123 = arith.constant 0 : index
    %swap3A_124 = arith.constant 0 : index
    %swap3A_125 = vector.load %arg6[%swap3A_123, %swap3A_124] : memref<2000x1xf32, #tpu.memory_space<vmem>>, vector<2000x1xf32>
    tpu.vector_store %arg6[%swap3A_123, %swap3A_124], %add3A_31 {strides = array<i32>} : memref<2000x1xf32, #tpu.memory_space<vmem>>, vector<2000x1xf32>,
    return
  }
  func.func @transform_0(%arg0: i32) -> (i32, i32, i32) {
    %c0_i32 = arith.constant 0 : i32
    %c0_i32_0 = arith.constant 0 : i32
    %c0_i32_1 = arith.constant 0 : i32
    return %c0_i32, %arg0, %c0_i32_0 : i32, i32, i32
  }
  func.func @transform_1(%arg0: i32) -> (i32, i32) {
    %c0_i32 = arith.constant 0 : i32
    %c0_i32_0 = arith.constant 0 : i32
    return %arg0, %c0_i32 : i32, i32
  }
  func.func @transform_2(%arg0: i32) -> (i32, i32) {
    %c0_i32 = arith.constant 0 : i32
    %c0_i32_0 = arith.constant 0 : i32
    return %arg0, %c0_i32 : i32, i32
  }
  func.func @transform_3(%arg0: i32) -> (i32, i32) {
    %c0_i32 = arith.constant 0 : i32
    %c0_i32_0 = arith.constant 0 : i32
    return %arg0, %c0_i32 : i32, i32
  }
  func.func @transform_4(%arg0: i32) -> (i32, i32) {
    %c0_i32 = arith.constant 0 : i32
    %c0_i32_0 = arith.constant 0 : i32
    return %arg0, %c0_i32 : i32, i32
  }
  func.func @transform_5(%arg0: i32) -> (i32, i32) {
    %c0_i32 = arith.constant 0 : i32
    %c0_i32_0 = arith.constant 0 : i32
    return %arg0, %c0_i32 : i32, i32
  }
}

</mosaic_0001>

<sc_bundles>
// kernel: kernel.12.cloned.1.call-start
scs
__scs_entry_jumppad:
0x0: {  	(pc) =	sbr.rel $0x88, $3  }
0x1: {  	(tag) =	ssettag $0x0;
	lr =	simm.s32 $0x1  }
0x2: {  	[smem:$0x3F9D] =	sst lr;
	_ =	strace $0xD0000000  }
0x3: {  	_ = 	snop  }
0x4: {  	_ = 	snop  }
0x5: {  	_ = 	snop  }
0x6: {  	_ = 	snop  }
0x7: {  	_ = 	snop  }
__scs_overlays_trampoline_lowered:
0x8: {  	[smem:$0x3FAC] =	sst s0  }
0x9: {  	[smem:$0x3FAD] =	sst s1  }
0xa: {  	[smem:$0x3FAE] =	sst s2  }
0xb: {  	[smem:$0x3FAF] =	sst s3  }
0xc: {  	[smem:$0x3FB0] =	sst s4  }
0xd: {  	[smem:$0x3FB1] =	sst s5  }
0xe: {  	[smem:$0x3FB2] =	sst s6  }
0xf: {  	[smem:$0x3FB3] =	sst s7  }
0x10: {  	[smem:$0x3FB4] =	sst s8  }
0x11: {  	[smem:$0x3FB5] =	sst s9;
	s0 =	simm.s32 @!p0 $0x0  }
0x12: {  	s1 =	sld [smem:$0x3F9B];
	s0 =	simm.s32 @p0 $0x1  }
0x13: {  	[smem:$0x3FB6] =	sst s0;
	s0 =	simm.s32 @!p1 $0x0  }
0x14: {  	s2 =	sld [smem:$0x3F9A];
	s0 =	simm.s32 @p1 $0x1  }
0x15: {  	[smem:$0x3FB7] =	sst s0;
	s0 =	simm.s32 @!p2 $0x0  }
0x16: {  	s3 =	sld [smem:$0x3FDB];
	s0 =	simm.s32 @p2 $0x1  }
0x17: {  	s4 =	simm.s32 $0x1BF5;
	[smem:$0x3FB9] =	sst s0  }
0x18: {  	s0 =	sld [smem:$0x3F9C];
	_ =	swait.ge [sflag:s4], $0x0  }
0x19: {  	s7 =	sld [smem:$0x3F9D]  }
0x1a: {  	s8 =	sadd.s32 $0xFFFFE003, lr  }
0x1b: {  	s9 =	sadd.s32 $0xFFFFFEF7, lr;
	s5 =	simm.s32 $0xFFFFFFFF;
	p2 =	slt.u32 s8, $0xFFFFF086  }
0x1c: {  	p1 =	slt.u32 s9, $0xF7A;
	s5 =	simm.s32 @!p2 $0x0  }
0x1d: {  	s5 =	simm.s32 @p1 $0x1;
	p0 =	seq.s32 s7, s2  }
0x1e: {  	s7 =	smul.u32 @!p0 $0xF7A, s2;
	p2 =	seq.s32 @!p0 s5, $0x0  }
0x1f: {  	s9 =	smul.u32 $0xF7A, s1;
	s8 =	simm.s32 @!p0 $0x1BF5;
	p2 =	por !p2, p0  }
0x20: {  	[sflag:s8] =	ssyncset.s32 @!p0 $0xFFFFF086;
	s6 =	sadd.s32 @!p0 s3, s7;
	s7 =	simm.s32 @!p0 $0x108  }
0x21: {  	s3 =	sadd.s32 s3, s9;
	s6 =	sadd.s32 @!p0 $0x88, s6;
	s7 =	simm.s32 @p2 $0x1082  }
0x22: {  	[simem:s7], [sflag:s8] =	dma.local @!p0 [hbm:s6], $0xF7A  }
0x23: {  	s9 =	sor.u32 $0xD0000000, s2;
	s6 =	simm.s32 $0x108;
	_ =	swait.ge @!p0 [sflag:s8], $0x0  }
0x24: {  	s3 =	sadd.s32 $0x88, s3;
	s6 =	simm.s32 @!p1 $0x1082;
	[sflag:s4] =	ssyncset.s32 $0xFFFFF086  }
0x25: {  	[simem:s6], [sflag:s4] =	dma.local [hbm:s3], $0xF7A  }
0x26: {  	[smem:$0x3F9D] =	sst s1;
	(tag) =	ssettag s2;
	_ =	strace s9  }
0x27: {  	s1 =	sld [smem:$0x3FAD]  }
0x28: {  	s2 =	sld [smem:$0x3FAE]  }
0x29: {  	s4 =	sld [smem:$0x3FB0]  }
0x2a: {  	p0 =	seq.s32 s5, $0x0;
	s5 =	sld [smem:$0x3FB1]  }
0x2b: {  	s6 =	sld [smem:$0x3FB2]  }
0x2c: {  	s7 =	sld [smem:$0x3FB3]  }
0x2d: {  	s3 =	simm.s32 $0x108;
	s8 =	sld [smem:$0x3FB4]  }
0x2e: {  	s3 =	simm.s32 @!p0 $0x1082;
	s9 =	sld [smem:$0x3FB5]  }
0x2f: {  	lr =	sadd.s32 s0, s3;
	s0 =	sld [smem:$0x3FAC]  }
0x30: {  	s3 =	sld [smem:$0x3FAF]  }
0x31: {  	[smem:$0x3FB8] =	sst s10  }
0x32: {  	s10 =	sld [smem:$0x3FB6];
	_ =	sdelay $0x3  }
0x33: {  	p0 =	seq.s32 s10, $0x1;
	s10 =	sld [smem:$0x3FB8];
	_ =	sdelay $0x3  }
0x34: {  	[smem:$0x3FB8] =	sst s10  }
0x35: {  	s10 =	sld [smem:$0x3FB7];
	_ =	sdelay $0x3  }
0x36: {  	p1 =	seq.s32 s10, $0x1;
	s10 =	sld [smem:$0x3FB8];
	_ =	sdelay $0x3  }
0x37: {  	[smem:$0x3FB8] =	sst s10  }
0x38: {  	s10 =	sld [smem:$0x3FB9]  }
0x39: {  	_ = 	snop;
	(pc) =	sbr.ind lr, $3  }
0x3a: {  	_ = 	snop  }
0x3b: {  	_ = 	snop  }
0x3c: {  	p2 =	seq.s32 s10, $0x1;
	s10 =	sld [smem:$0x3FB8]  }
0x3d: {  	_ =	shalt  }
0x3e: {  	_ =	shalt  }
0x3f: {  	_ =	shalt  }
0x40: {  	_ =	shalt  }
0x41: {  	_ =	shalt  }
0x42: {  	_ =	shalt  }
0x43: {  	_ =	shalt  }
0x44: {  	_ =	shalt  }
0x45: {  	_ =	shalt  }
0x46: {  	_ =	shalt  }
0x47: {  	_ =	shalt  }
0x48: {  	_ =	shalt  }
0x49: {  	_ =	shalt  }
0x4a: {  	_ =	shalt  }
0x4b: {  	_ =	shalt  }
0x4c: {  	_ =	shalt  }
0x4d: {  	_ =	shalt  }
0x4e: {  	_ =	shalt  }
0x4f: {  	_ =	shalt  }
0x50: {  	_ =	shalt  }
0x51: {  	_ =	shalt  }
0x52: {  	_ =	shalt  }
0x53: {  	_ =	shalt  }
0x54: {  	_ =	shalt  }
0x55: {  	_ =	shalt  }
0x56: {  	_ =	shalt  }
0x57: {  	_ =	shalt  }
0x58: {  	_ =	shalt  }
0x59: {  	_ =	shalt  }
0x5a: {  	_ =	shalt  }
0x5b: {  	_ =	shalt  }
0x5c: {  	_ =	shalt  }
0x5d: {  	_ =	shalt  }
0x5e: {  	_ =	shalt  }
0x5f: {  	_ =	shalt  }
0x60: {  	_ =	shalt  }
0x61: {  	_ =	shalt  }
0x62: {  	_ =	shalt  }
0x63: {  	_ =	shalt  }
0x64: {  	_ =	shalt  }
0x65: {  	_ =	shalt  }
0x66: {  	_ =	shalt  }
0x67: {  	_ =	shalt  }
0x68: {  	_ =	shalt  }
0x69: {  	_ =	shalt  }
0x6a: {  	_ =	shalt  }
0x6b: {  	_ =	shalt  }
0x6c: {  	_ =	shalt  }
0x6d: {  	_ =	shalt  }
0x6e: {  	_ =	shalt  }
0x6f: {  	_ =	shalt  }
0x70: {  	_ =	shalt  }
0x71: {  	_ =	shalt  }
0x72: {  	_ =	shalt  }
0x73: {  	_ =	shalt  }
0x74: {  	_ =	shalt  }
0x75: {  	_ =	shalt  }
0x76: {  	_ =	shalt  }
0x77: {  	_ =	shalt  }
0x78: {  	_ =	shalt  }
0x79: {  	_ =	shalt  }
0x7a: {  	_ =	shalt  }
0x7b: {  	_ =	shalt  }
0x7c: {  	_ =	shalt  }
0x7d: {  	_ =	shalt  }
0x7e: {  	_ =	shalt  }
0x7f: {  	_ =	shalt  }
0x80: {  	_ =	shalt  }
0x81: {  	_ =	shalt  }
0x82: {  	_ =	shalt  }
0x83: {  	_ =	shalt  }
0x84: {  	_ =	shalt  }
0x85: {  	_ =	shalt  }
0x86: {  	_ =	shalt  }
0x87: {  	_ =	shalt  }
.Lfunc_end0:
.L_simem_size_0:
called_computation.1_lowered:
.L_overlay_start_0:
0x88: {  	s2 =	sld [smem:$0x3FD9]  }
0x89: {  	s3 =	sld [smem:$0x3FFE];
	_ =	sdelay $0x1  }
0x8a: {  	s1 =	srdreg.scid  }
0x8b: {  	s0 =	sand.u32 $0x1, s1  }
0x8c: {  	s14 =	sshll.u32 s0, $0xA;
	s2 =	sadd.s32 s3, s2  }
0x8d: {  	s2 =	sadd.s32 s2, s14  }
0x8e: {  	[smem:$0x3FC4] =	sst s2  }
0x8f: {  	_ = 	snop  }
0x90: {  	s2 =	sld [smem:$0x3FD0];
	_ =	sdelay $0x2  }
0x91: {  	s15 =	simm.s32 $0xA;
	s4 =	simm.s32 $0x10  }
0x92: {  	[smem:s4], [sflag:s15] =	dma.local [hbm:s2], $0x1  }
0x93: {  	_ =	swait.eq [sflag:s15], $0x1  }
0x94: {  	[sflag:s15] =	ssyncset.done $0x0  }
0x95: {  	s16 =	sld [smem:$0x10];
	[sflag:s15] =	ssyncadd.s32 $0xFFFFFFFF  }
0x96: {  	s17 =	sld [smem:$0x11];
	(tm) =	ssettm $0x1  }
0x97: {  	s18 =	sld [smem:$0x3FFB];
	_ =	sdelay $0x3  }
0x98: {  	_ =	strace s18  }
0x99: {  	s4 =	sld [smem:$0x3FFC];
	_ =	sdelay $0x3  }
0x9a: {  	_ =	strace s4  }
0x9b: {  	s4 =	sld [smem:$0x3FFD];
	_ =	sdelay $0x3  }
0x9c: {  	_ =	strace s4  }
0x9d: {  	_ =	strace $0x8FFFFFFF  }
0x9e: {  	s19 =	sld [smem:$0x3FDB];
	_ =	sdelay $0x1  }
0x9f: {  	s5 =	simm.s32 $_scs_section_size  }
0xa0: {  	s6 =	simm.s32 $_size__tile_overlayer_lowered;
	s7 =	simm.s32 $_tile_overlayer_lowered  }
0xa1: {  	s22 =	simm.s32 $0x1BFF;
	s21 =	sshll.u32 s7, $0x1;
	s4 =	sadd.s32 s5, s19  }
0xa2: {  	s8 =	simm.s32 $0x0;
	s20 =	sshll.u32 s6, $0x1;
	s6 =	sadd.s32 s21, s4  }
0xa3: {  	[timem:s8], [sflag:s22] =	dma.local [hbm:s6], s20  }
0xa4: {  	_ =	swait.ge [sflag:s22], s20  }
0xa5: {  	s5 =	ssub.s32 $0x0, s20;
	[sflag:s22] =	ssyncset.done $0x0  }
0xa6: {  	[sflag:s22] =	ssyncadd.s32 s5;
	_ =	sdelay $0x1  }
0xa7: {  	s23 =	simm.s32 $0x1B8B  }
0xa8: {  	_ =	swait.ge [sflag:s23], $0x1  }
0xa9: {  	[sflag:s23] =	ssyncset.done $0x0  }
0xaa: {  	s25 =	simm.s32 $0x1B8E;
	s24 =	sld [smem:$0x3FFE];
	[sflag:s23] =	ssyncadd.s32 $0xFFFFFFFF  }
0xab: {  	s26 =	simm.s32 $execute0_lowered;
	[smem:$0x3FD2] =	sst s25  }
0xac: {  	s6 =	sshll.u32 s26, $0x1;
	_ =	strace $0x80000049;
	[dreg:$0x1] =	wrdreg $0xFFFFFFFF  }
0xad: {  	s28 =	simm.s32 $_size_execute0_lowered;
	s4 =	sadd.s32 s4, s6;
	[dreg:$0x0] =	wrdreg $0x0  }
0xae: {  	s6 =	sshll.u32 s28, $0x1;
	[dreg:$0x2] =	wrdreg s4  }
0xaf: {  	[dreg:$0x3] =	wrdreg s6  }
0xb0: {  	[dreg:$0x4] =	wrdreg $0xC0  }
0xb1: {  	_ =	task [dreg:s8], $0x5FFFF  }
0xb2: {  	[dreg:$0x1] =	wrdreg $0xFFFFFFFF  }
0xb3: {  	[dreg:$0x0] =	wrdreg $0x60  }
0xb4: {  	[dreg:$0x2] =	wrdreg s24  }
0xb5: {  	[dreg:$0x3] =	wrdreg s16  }
0xb6: {  	[dreg:$0x4] =	wrdreg s17  }
0xb7: {  	[dreg:$0x5] =	wrdreg $0xBC000  }
0xb8: {  	[dreg:$0x6] =	wrdreg $0x9  }
0xb9: {  	_ =	task.clear_ibuf [dreg:s8], $0x7FFFF;
	_ =	strace $0x90000049  }
0xba: {  	s29 =	simm.s32 $0x9;
	_ =	strace $0x8000004B  }
0xbb: {  	_ =	swait.ge [sflag:s29], $0x1  }
0xbc: {  	[sflag:s29] =	ssyncadd.s32 $0xFFFFFFFF  }
0xbd: {  	_ =	strace $0x9000004B  }
0xbe: {  	_ =	sfence  }
0xbf: {  	s30 =	sld [smem:$0x0];
	_ =	sdelay $0x2  }
0xc0: {  	s31 =	sshll.u32 s1, $0xD;
	s1 =	sshrl.u32 s1, $0x2  }
0xc1: {  	s3 =	sand.u32 $0x4000, s31;
	s1 =	sadd.s32 s1, s30  }
0xc2: {  	s0 =	sor.u32 s3, s0;
	s1 =	sshll.u32 s1, $0x11  }
0xc3: {  	s0 =	sor.u32 s1, s0  }
0xc4: {  	s0 =	sadd.s32 $0x8F2B, s0  }
0xc5: {  	[sflag:s0] =	ssyncadd.remote.s32 $0x1  }
0xc6: {  	_ =	sfence.sel $0xFFFF  }
0xc7: {  	[dreg:$0x0] =	wrdreg $0xFFFFFFFF;
	(pc) =	sbr.abs _section_cstart, $3  }
0xc8: {  	[dreg:$0x1] =	wrdreg $0xFFFFFFFF  }
0xc9: {  	_ =	task.clear_ibuf [dreg:s8], $0x2FFFF;
	_ =	strace $0x9FFFFFFF  }
0xca: {  	(tm) =	ssettm $0x7FFFFFFF  }
0xcb: {  	_ =	shalt  }
tec
execute0_lowered:
.L_overlay_start_1:
0x0: {  	(tag) =	ssettag $0x1  }
0x1: {  	s1 =	rddreg [dreg:$0x0]  }
0x2: {  	s7 =	rddreg [dreg:$0x1]  }
0x3: {  	s8 =	rddreg [dreg:$0x2]  }
0x4: {  	s2 =	rddreg [dreg:$0x3]  }
0x5: {  	s0 =	stileid.u32;
	s4 =	srdreg.scid  }
0x6: {  	s3 =	simm.s32 $0x0;
	s14 =	simm.s32 $0x2800;
	s15 =	simm.s32 $0x80  }
0x7: {  	s16 =	simm.s32 $0x3C00;
	s17 =	simm.s32 $0x7C00;
	s18 =	simm.s32 $0x1  }
0x8: {  	s19 =	simm.s32 $0x2;
	s20 =	simm.s32 $0x100;
	s21 =	simm.s32 $0x2880  }
0x9: {  	s22 =	simm.s32 $0x1380;
	s23 =	simm.s32 $0x3B00;
	s24 =	simm.s32 $0x3B80  }
0xa: {  	s28 =	simm.s32 $0x1500;
	s29 =	simm.s32 $0x2780;
	s30 =	simm.s32 $0x0  }
0xb: {  	s5 =	smul.u32 $0x13C00, s0;
	s6 =	sand.u32 $0x1, s4;
	[smem:$0x7FF] =	sst s3  }
0xc: {  	s4 =	sadd.s32 $0x29400, s1;
	s25 =	smul.u32 $0x4F000, s0;
	s26 =	sshll.u32 s0, $0x6  }
0xd: {  	s10 =	smul.u32 $0x13C000, s6;
	_ =	strace $0x8000004A;
	s11 =	sshll.u32 s6, $0x4  }
0xe: {  	s6 =	ssub.s32 $0x2, s6;
	s9 =	sshrl.u32 s5, $0x3;
	s11 =	sor.u32 s0, s11  }
0xf: {  	s12 =	sshrl.u32 s6, $0x1;
	s9 =	sadd.s32 s9, s1;
	s5 =	sadd.s32 s5, s10  }
0x10: {  	s10 =	sshrl.u32 s25, $0x2;
	s11 =	smul.u32 $0x2800, s11;
	s12 =	ssub.s32 s6, s12  }
0x11: {  	s6 =	sor.u32 $0x1C03, s26;
	s25 =	simm.s32 $0x1400;
	s5 =	sshrl.u32 s5, $0x3  }
0x12: {  	s26 =	simm.s32 $0x1480;
	s13 =	sadd.s32 s10, s2;
	s1 =	sadd.s32 s5, s1  }
0x13: {  	s5 =	sadd.s32 $0x50600, s9;
	s31 =	sshrl.u32 s11, $0x3;
	s11 =	smax.u32 s12, $0x1  }
0x14: {  	s12 =	sshrl.u32 s13, $0x3;
	s13 =	simm.s32 $0x3;
	s8 =	sadd.s32 s8, s31  }
0x15: {  	s7 =	sadd.s32 s7, s31;
	s10 =	sadd.s32 $0x77E00, s1;
	s9 =	sadd.s32 $0x280, s8  }
.LBB2_1:
0x16: {  	[spmem:s12], [sflag:s6] =	dma.local [hbm:s5], $0x2780  }
0x17: {  	_ =	swait.ge [sflag:s13], $0x2780  }
0x18: {  	[sflag:s13] =	ssyncset.done $0x0  }
0x19: {  	[sflag:s13] =	ssyncadd.s32 $0xFFFFD880  }
0x1a: {  	[tilespmem:s3], [sflag:$0x3] =	stream.linear.gather [hbm4b:s7+s3], $0x2800, $0x38;
	[tilespmem:$0x1F800] =	vst v63  }
0x1b: {  	_ =	swait.ge [sflag:s13], $0x2800  }
0x1c: {  	[sflag:s13] =	ssyncset.done $0x0  }
0x1d: {  	[sflag:s13] =	ssyncadd.s32 $0xFFFFD800  }
0x1e: {  	[bflag:$0x0] =	sbarrier.arrive $0xFFFF  }
0x1f: {  	[tilespmem:s14], [sflag:$0x3] =	stream.linear.gather [hbm4b:s8+s3], $0x1400, $0x38;
	[tilespmem:$0x1F800] =	vst v63  }
0x20: {  	_ =	swait.ge [sflag:s13], $0x1400  }
0x21: {  	[sflag:s13] =	ssyncset.done $0x0  }
0x22: {  	[sflag:s13] =	ssyncadd.s32 $0xFFFFEC00  }
0x23: {  	[tilespmem:s16], [sflag:$0x1] =	stream.indirect.gather [hbm4b:s4+s15], $0x80, s3, s15, $0xb8;
	[tilespmem:$0x1F800] =	vst v63  }
0x24: {  	_ = 	snop  }
0x25: {  	[tilespmem:s17], [sflag:$0x1] =	stream.indirect.gather [hbm4b:s4+s15], $0x80, s15, s15, $0xb8;
	[tilespmem:$0x1F800] =	vst v63  }
0x26: {  	_ =	swait.ge [sflag:s18], $0x4000  }
0x27: {  	[sflag:s18] =	ssyncset.done $0x0  }
0x28: {  	[sflag:s18] =	ssyncadd.s32 $0xFFFFC000  }
0x29: {  	[spmem:s2] =	stream.indirect.scatter.add.f32 [tilespmem:s16], [sflag:$0x2], $0x80, s14, s15, $0xb8;
	[tilespmem:$0x1F800] =	vst v63  }
0x2a: {  	_ =	swait.ge [sflag:s19], $0x4000  }
0x2b: {  	[sflag:s19] =	ssyncset.done $0x0  }
0x2c: {  	[sflag:s19] =	ssyncadd.s32 $0xFFFFC000  }
0x2d: {  	[tilespmem:s16], [sflag:$0x1] =	stream.indirect.gather [hbm4b:s4+s15], $0x80, s20, s15, $0xb8;
	[tilespmem:$0x1F800] =	vst v63  }
0x2e: {  	_ =	swait.ge [sflag:s18], $0x4000  }
0x2f: {  	[sflag:s18] =	ssyncset.done $0x0  }
0x30: {  	[sflag:s18] =	ssyncadd.s32 $0xFFFFC000  }
0x31: {  	[spmem:s2] =	stream.indirect.scatter.add.f32 [tilespmem:s17], [sflag:$0x2], $0x80, s21, s15, $0xb8;
	[tilespmem:$0x1F800] =	vst v63  }
0x32: {  	_ =	swait.ge [sflag:s19], $0x4000  }
0x33: {  	[sflag:s19] =	ssyncset.done $0x0  }
0x34: {  	s1 =	simm.s32 $0x180;
	[sflag:s19] =	ssyncadd.s32 $0xFFFFC000  }
0x35: {  	[tilespmem:s17], [sflag:$0x1] =	stream.indirect.gather [hbm4b:s4+s15], $0x80, s1, s15, $0xb8;
	[tilespmem:$0x1F800] =	vst v63  }
0x36: {  	_ =	swait.ge [sflag:s18], $0x4000  }
0x37: {  	[sflag:s18] =	ssyncset.done $0x0  }
0x38: {  	s0 =	simm.s32 $0x2900;
	[sflag:s18] =	ssyncadd.s32 $0xFFFFC000  }
0x39: {  	[spmem:s2] =	stream.indirect.scatter.add.f32 [tilespmem:s16], [sflag:$0x2], $0x80, s0, s15, $0xb8;
	[tilespmem:$0x1F800] =	vst v63  }
0x3a: {  	_ =	swait.ge [sflag:s19], $0x4000  }
0x3b: {  	[sflag:s19] =	ssyncset.done $0x0  }
0x3c: {  	s0 =	simm.s32 $0x200;
	[sflag:s19] =	ssyncadd.s32 $0xFFFFC000  }
0x3d: {  	[tilespmem:s16], [sflag:$0x1] =	stream.indirect.gather [hbm4b:s4+s15], $0x80, s0, s15, $0xb8;
	[tilespmem:$0x1F800] =	vst v63  }
0x3e: {  	_ =	swait.ge [sflag:s18], $0x4000  }
0x3f: {  	[sflag:s18] =	ssyncset.done $0x0  }
0x40: {  	s31 =	simm.s32 $0xFFFFBC00;
	s1 =	simm.s32 $0x2980;
	[sflag:s18] =	ssyncadd.s32 $0xFFFFC000  }
.LBB2_2:
0x41: {  	[spmem:s2] =	stream.indirect.scatter.add.f32 [tilespmem:s17], [sflag:$0x2], $0x80, s1, s15, $0xb8;
	[tilespmem:$0x1F800] =	vst v63  }
0x42: {  	s1 =	smov.u32 s31  }
0x43: {  	p0 =	sne.s32 s31, $0xFFFFFC00;
	s31 =	sadd.s32 $0x400, s31;
	_ =	swait.ge [sflag:s19], $0x4000  }
0x44: {  	s1 =	sshra.s32 s1, $0x2;
	[sflag:s19] =	ssyncset.done $0x0  }
0x45: {  	s0 =	sadd.s32 $0x1380, s1;
	[sflag:s19] =	ssyncadd.s32 $0xFFFFC000  }
0x46: {  	[tilespmem:s17], [sflag:$0x1] =	stream.indirect.gather [hbm4b:s4+s15], $0x80, s0, s15, $0xb8;
	[tilespmem:$0x1F800] =	vst v63  }
0x47: {  	_ =	swait.ge [sflag:s18], $0x4000  }
0x48: {  	[sflag:s18] =	ssyncset.done $0x0  }
0x49: {  	s0 =	sadd.s32 $0x3B00, s1;
	[sflag:s18] =	ssyncadd.s32 $0xFFFFC000  }
0x4a: {  	[spmem:s2] =	stream.indirect.scatter.add.f32 [tilespmem:s16], [sflag:$0x2], $0x80, s0, s15, $0xb8;
	[tilespmem:$0x1F800] =	vst v63  }
0x4b: {  	_ =	swait.ge [sflag:s19], $0x4000  }
0x4c: {  	[sflag:s19] =	ssyncset.done $0x0  }
.Ltmp0:
0x4d: {  	s0 =	sadd.s32 $0x1400, s1;
	[sflag:s19] =	ssyncadd.s32 $0xFFFFC000;
	(pc) =	sbr.rel @p0 .LBB2_2-.Ltmp0, $4  }
0x4e: {  	[tilespmem:s16], [sflag:$0x1] =	stream.indirect.gather [hbm4b:s4+s15], $0x80, s0, s15, $0xb8;
	[tilespmem:$0x1F800] =	vst v63  }
0x4f: {  	_ =	swait.ge [sflag:s18], $0x4000  }
0x50: {  	[sflag:s18] =	ssyncset.done $0x0  }
0x51: {  	s1 =	sadd.s32 $0x3B80, s1;
	[sflag:s18] =	ssyncadd.s32 $0xFFFFC000  }
0x52: {  	[spmem:s2] =	stream.indirect.scatter.add.f32 [tilespmem:s17], [sflag:$0x2], $0x80, s1, s15, $0xb8;
	[tilespmem:$0x1F800] =	vst v63  }
0x53: {  	_ =	swait.ge [sflag:s19], $0x4000  }
0x54: {  	[sflag:s19] =	ssyncset.done $0x0  }
0x55: {  	[sflag:s19] =	ssyncadd.s32 $0xFFFFC000  }
0x56: {  	[tilespmem:s17], [sflag:$0x1] =	stream.indirect.gather [hbm4b:s4+s15], $0x80, s22, s15, $0xb8;
	[tilespmem:$0x1F800] =	vst v63  }
0x57: {  	_ =	swait.ge [sflag:s18], $0x4000  }
0x58: {  	[sflag:s18] =	ssyncset.done $0x0  }
0x59: {  	[sflag:s18] =	ssyncadd.s32 $0xFFFFC000  }
0x5a: {  	[spmem:s2] =	stream.indirect.scatter.add.f32 [tilespmem:s16], [sflag:$0x2], $0x80, s23, s15, $0xb8;
	[tilespmem:$0x1F800] =	vst v63  }
0x5b: {  	_ =	swait.ge [sflag:s19], $0x4000  }
0x5c: {  	[sflag:s19] =	ssyncset.done $0x0  }
0x5d: {  	[sflag:s19] =	ssyncadd.s32 $0xFFFFC000  }
0x5e: {  	_ =	swait.ge [sflag:s18], $0x4000  }
0x5f: {  	[sflag:s18] =	ssyncset.done $0x0  }
0x60: {  	[sflag:s18] =	ssyncadd.s32 $0xFFFFC000  }
0x61: {  	[spmem:s2] =	stream.indirect.scatter.add.f32 [tilespmem:s17], [sflag:$0x2], $0x80, s24, s15, $0xb8;
	[tilespmem:$0x1F800] =	vst v63  }
0x62: {  	_ =	swait.ge [sflag:s19], $0x4000  }
0x63: {  	[sflag:s19] =	ssyncset.done $0x0  }
0x64: {  	[sflag:s19] =	ssyncadd.s32 $0xFFFFC000  }
0x65: {  	[tilespmem:s14], [sflag:$0x3] =	stream.linear.gather [hbm4b:s9+s3], $0x1400, $0x38;
	[tilespmem:$0x1F800] =	vst v63  }
0x66: {  	_ =	swait.ge [sflag:s13], $0x1400  }
0x67: {  	[sflag:s13] =	ssyncset.done $0x0  }
0x68: {  	[sflag:s13] =	ssyncadd.s32 $0xFFFFEC00  }
0x69: {  	[tilespmem:s16], [sflag:$0x1] =	stream.indirect.gather [hbm4b:s4+s15], $0x80, s25, s15, $0xb8;
	[tilespmem:$0x1F800] =	vst v63  }
0x6a: {  	_ = 	snop  }
0x6b: {  	[tilespmem:s17], [sflag:$0x1] =	stream.indirect.gather [hbm4b:s4+s15], $0x80, s26, s15, $0xb8;
	[tilespmem:$0x1F800] =	vst v63  }
0x6c: {  	_ =	swait.ge [sflag:s18], $0x4000  }
0x6d: {  	[sflag:s18] =	ssyncset.done $0x0  }
0x6e: {  	[sflag:s18] =	ssyncadd.s32 $0xFFFFC000  }
0x6f: {  	[spmem:s2] =	stream.indirect.scatter.add.f32 [tilespmem:s16], [sflag:$0x2], $0x80, s14, s15, $0xb8;
	[tilespmem:$0x1F800] =	vst v63  }
0x70: {  	_ =	swait.ge [sflag:s19], $0x4000  }
0x71: {  	[sflag:s19] =	ssyncset.done $0x0  }
0x72: {  	[sflag:s19] =	ssyncadd.s32 $0xFFFFC000  }
0x73: {  	[tilespmem:s16], [sflag:$0x1] =	stream.indirect.gather [hbm4b:s4+s15], $0x80, s28, s15, $0xb8;
	[tilespmem:$0x1F800] =	vst v63  }
0x74: {  	_ =	swait.ge [sflag:s18], $0x4000  }
0x75: {  	[sflag:s18] =	ssyncset.done $0x0  }
0x76: {  	[sflag:s18] =	ssyncadd.s32 $0xFFFFC000  }
0x77: {  	[spmem:s2] =	stream.indirect.scatter.add.f32 [tilespmem:s17], [sflag:$0x2], $0x80, s21, s15, $0xb8;
	[tilespmem:$0x1F800] =	vst v63  }
0x78: {  	_ =	swait.ge [sflag:s19], $0x4000  }
0x79: {  	[sflag:s19] =	ssyncset.done $0x0  }
0x7a: {  	s0 =	simm.s32 $0x1580;
	[sflag:s19] =	ssyncadd.s32 $0xFFFFC000  }
0x7b: {  	[tilespmem:s17], [sflag:$0x1] =	stream.indirect.gather [hbm4b:s4+s15], $0x80, s0, s15, $0xb8;
	[tilespmem:$0x1F800] =	vst v63  }
0x7c: {  	_ =	swait.ge [sflag:s18], $0x4000  }
0x7d: {  	[sflag:s18] =	ssyncset.done $0x0  }
0x7e: {  	s1 =	simm.s32 $0x2900;
	[sflag:s18] =	ssyncadd.s32 $0xFFFFC000  }
0x7f: {  	[spmem:s2] =	stream.indirect.scatter.add.f32 [tilespmem:s16], [sflag:$0x2], $0x80, s1, s15, $0xb8;
	[tilespmem:$0x1F800] =	vst v63  }
0x80: {  	_ =	swait.ge [sflag:s19], $0x4000  }
0x81: {  	[sflag:s19] =	ssyncset.done $0x0  }
0x82: {  	s1 =	simm.s32 $0x1600;
	[sflag:s19] =	ssyncadd.s32 $0xFFFFC000  }
0x83: {  	[tilespmem:s16], [sflag:$0x1] =	stream.indirect.gather [hbm4b:s4+s15], $0x80, s1, s15, $0xb8;
	[tilespmem:$0x1F800] =	vst v63  }
0x84: {  	_ =	swait.ge [sflag:s18], $0x4000  }
0x85: {  	[sflag:s18] =	ssyncset.done $0x0  }
0x86: {  	s31 =	simm.s32 $0xFFFFBC00;
	s1 =	simm.s32 $0x2980;
	[sflag:s18] =	ssyncadd.s32 $0xFFFFC000  }
.LBB2_4:
0x87: {  	[spmem:s2] =	stream.indirect.scatter.add.f32 [tilespmem:s17], [sflag:$0x2], $0x80, s1, s15, $0xb8;
	[tilespmem:$0x1F800] =	vst v63  }
0x88: {  	s0 =	smov.u32 s31  }
0x89: {  	p0 =	sne.s32 s31, $0xFFFFFC00;
	s31 =	sadd.s32 $0x400, s31;
	_ =	swait.ge [sflag:s19], $0x4000  }
0x8a: {  	s0 =	sshra.s32 s0, $0x2;
	[sflag:s19] =	ssyncset.done $0x0  }
0x8b: {  	s1 =	sadd.s32 $0x2780, s0;
	[sflag:s19] =	ssyncadd.s32 $0xFFFFC000  }
0x8c: {  	[tilespmem:s17], [sflag:$0x1] =	stream.indirect.gather [hbm4b:s4+s15], $0x80, s1, s15, $0xb8;
	[tilespmem:$0x1F800] =	vst v63  }
0x8d: {  	_ =	swait.ge [sflag:s18], $0x4000  }
0x8e: {  	[sflag:s18] =	ssyncset.done $0x0  }
0x8f: {  	s1 =	sadd.s32 $0x3B00, s0;
	[sflag:s18] =	ssyncadd.s32 $0xFFFFC000  }
0x90: {  	[spmem:s2] =	stream.indirect.scatter.add.f32 [tilespmem:s16], [sflag:$0x2], $0x80, s1, s15, $0xb8;
	[tilespmem:$0x1F800] =	vst v63  }
0x91: {  	_ =	swait.ge [sflag:s19], $0x4000  }
0x92: {  	[sflag:s19] =	ssyncset.done $0x0  }
.Ltmp1:
0x93: {  	s1 =	sadd.s32 $0x2800, s0;
	[sflag:s19] =	ssyncadd.s32 $0xFFFFC000;
	(pc) =	sbr.rel @p0 .LBB2_4-.Ltmp1, $4  }
0x94: {  	[tilespmem:s16], [sflag:$0x1] =	stream.indirect.gather [hbm4b:s4+s15], $0x80, s1, s15, $0xb8;
	[tilespmem:$0x1F800] =	vst v63  }
0x95: {  	_ =	swait.ge [sflag:s18], $0x4000  }
0x96: {  	[sflag:s18] =	ssyncset.done $0x0  }
0x97: {  	s1 =	sadd.s32 $0x3B80, s0;
	[sflag:s18] =	ssyncadd.s32 $0xFFFFC000  }
0x98: {  	[spmem:s2] =	stream.indirect.scatter.add.f32 [tilespmem:s17], [sflag:$0x2], $0x80, s1, s15, $0xb8;
	[tilespmem:$0x1F800] =	vst v63  }
0x99: {  	_ =	swait.ge [sflag:s19], $0x4000  }
0x9a: {  	[sflag:s19] =	ssyncset.done $0x0  }
0x9b: {  	[sflag:s19] =	ssyncadd.s32 $0xFFFFC000  }
0x9c: {  	[tilespmem:s17], [sflag:$0x1] =	stream.indirect.gather [hbm4b:s4+s15], $0x80, s29, s15, $0xb8;
	[tilespmem:$0x1F800] =	vst v63  }
0x9d: {  	_ =	swait.ge [sflag:s18], $0x4000  }
0x9e: {  	[sflag:s18] =	ssyncset.done $0x0  }
0x9f: {  	[sflag:s18] =	ssyncadd.s32 $0xFFFFC000  }
0xa0: {  	[spmem:s2] =	stream.indirect.scatter.add.f32 [tilespmem:s16], [sflag:$0x2], $0x80, s23, s15, $0xb8;
	[tilespmem:$0x1F800] =	vst v63  }
0xa1: {  	_ =	swait.ge [sflag:s19], $0x4000  }
0xa2: {  	[sflag:s19] =	ssyncset.done $0x0  }
0xa3: {  	[sflag:s19] =	ssyncadd.s32 $0xFFFFC000  }
0xa4: {  	_ =	swait.ge [sflag:s18], $0x4000  }
0xa5: {  	[sflag:s18] =	ssyncset.done $0x0  }
0xa6: {  	[sflag:s18] =	ssyncadd.s32 $0xFFFFC000  }
0xa7: {  	[spmem:s2] =	stream.indirect.scatter.add.f32 [tilespmem:s17], [sflag:$0x2], $0x80, s24, s15, $0xb8;
	[tilespmem:$0x1F800] =	vst v63  }
0xa8: {  	_ =	swait.ge [sflag:s19], $0x4000  }
0xa9: {  	s30 =	sadd.s32 $0x1, s30;
	[sflag:s19] =	ssyncset.done $0x0  }
0xaa: {  	p0 =	sne.s32 s30, s11;
	[sflag:s19] =	ssyncadd.s32 $0xFFFFC000  }
.Ltmp2:
0xab: {  	[bflag:$0x0] =	sbarrier.arrive $0xFFFF;
	(pc) =	sbr.rel @p0 .LBB2_1-.Ltmp2, $4  }
0xac: {  	[hbm:s10], [sflag:s6] =	dma.local [spmem:s12], $0x2780  }
0xad: {  	_ =	swait.ge [sflag:s13], $0x2780  }
0xae: {  	[sflag:s13] =	ssyncset.done $0x0  }
0xaf: {  	[sflag:s13] =	ssyncadd.s32 $0xFFFFD880  }
0xb0: {  	_ =	sfence.sel $0x180000  }
0xb1: {  	[bflag:$0x0] =	sbarrier.arrive $0xFFFF  }
0xb2: {  	_ =	strace $0x9000004A  }
0xb3: {  	s0 =	stileid.u32;
	[bflag:$0x2] =	sbarrier.arrive $0xFFFF  }
0xb4: {  	p0 =	sne.s32 s0, $0x0;
	s0 =	rddreg [dreg:$0x4]  }
0xb5: {  	s0 =	sadd.s32 @!p0 $0x100000, s0  }
0xb6: {  	[sflag:s0] =	ssyncadd.tile.s32 @!p0 $0x1;
	_ =	shalt  }
.Lfunc_end2:
_tile_overlayer_lowered:
.L_overlay_start_2:
0xb7: {  	(tag) =	ssettag $0x2  }
0xb8: {  	s0 =	rddreg [dreg:$0x0];
	s2 =	stileid.u32  }
0xb9: {  	s1 =	rddreg [dreg:$0x1];
	p0 =	sne.s32 s2, $0x0  }
0xba: {  	s3 =	rddreg [dreg:$0x2];
	[bflag:$0x3] =	sbarrier.arrive $0xFFFF;
	s2 =	simm.s32 @!p0 $0x1C03  }
0xbb: {  	[timem:s3], [sflag:s2] =	dma.local @!p0 [hbm:s0], s1  }
0xbc: {  	s0 =	simm.s32 @!p0 $0x3  }
0xbd: {  	_ =	swait.ge @!p0 [sflag:s0], s1  }
0xbe: {  	s1 =	ssub.s32 @!p0 $0x0, s1;
	[sflag:s0] =	ssyncset.done @!p0 $0x0  }
0xbf: {  	[sflag:s0] =	ssyncadd.s32 @!p0 s1  }
0xc0: {  	[bflag:$0x3] =	sbarrier.arrive $0xFFFF  }
0xc1: {  	_ =	shalt  }

// kernel: kernel.15.cloned.1.call-start
scs
__scs_entry_jumppad:
0x0: {  	(pc) =	sbr.rel $0x88, $3  }
0x1: {  	(tag) =	ssettag $0x0;
	lr =	simm.s32 $0x1  }
0x2: {  	[smem:$0x3F9D] =	sst lr;
	_ =	strace $0xD0000000  }
0x3: {  	_ = 	snop  }
0x4: {  	_ = 	snop  }
0x5: {  	_ = 	snop  }
0x6: {  	_ = 	snop  }
0x7: {  	_ = 	snop  }
__scs_overlays_trampoline_lowered:
0x8: {  	[smem:$0x3FAC] =	sst s0  }
0x9: {  	[smem:$0x3FAD] =	sst s1  }
0xa: {  	[smem:$0x3FAE] =	sst s2  }
0xb: {  	[smem:$0x3FAF] =	sst s3  }
0xc: {  	[smem:$0x3FB0] =	sst s4  }
0xd: {  	[smem:$0x3FB1] =	sst s5  }
0xe: {  	[smem:$0x3FB2] =	sst s6  }
0xf: {  	[smem:$0x3FB3] =	sst s7  }
0x10: {  	[smem:$0x3FB4] =	sst s8  }
0x11: {  	[smem:$0x3FB5] =	sst s9;
	s0 =	simm.s32 @!p0 $0x0  }
0x12: {  	s1 =	sld [smem:$0x3F9B];
	s0 =	simm.s32 @p0 $0x1  }
0x13: {  	[smem:$0x3FB6] =	sst s0;
	s0 =	simm.s32 @!p1 $0x0  }
0x14: {  	s2 =	sld [smem:$0x3F9A];
	s0 =	simm.s32 @p1 $0x1  }
0x15: {  	[smem:$0x3FB7] =	sst s0;
	s0 =	simm.s32 @!p2 $0x0  }
0x16: {  	s3 =	sld [smem:$0x3FDB];
	s0 =	simm.s32 @p2 $0x1  }
0x17: {  	s4 =	simm.s32 $0x1BF5;
	[smem:$0x3FB9] =	sst s0  }
0x18: {  	s0 =	sld [smem:$0x3F9C];
	_ =	swait.ge [sflag:s4], $0x0  }
0x19: {  	s7 =	sld [smem:$0x3F9D]  }
0x1a: {  	s8 =	sadd.s32 $0xFFFFE003, lr  }
0x1b: {  	s9 =	sadd.s32 $0xFFFFFEF7, lr;
	s5 =	simm.s32 $0xFFFFFFFF;
	p2 =	slt.u32 s8, $0xFFFFF086  }
0x1c: {  	p1 =	slt.u32 s9, $0xF7A;
	s5 =	simm.s32 @!p2 $0x0  }
0x1d: {  	s5 =	simm.s32 @p1 $0x1;
	p0 =	seq.s32 s7, s2  }
0x1e: {  	s7 =	smul.u32 @!p0 $0xF7A, s2;
	p2 =	seq.s32 @!p0 s5, $0x0  }
0x1f: {  	s9 =	smul.u32 $0xF7A, s1;
	s8 =	simm.s32 @!p0 $0x1BF5;
	p2 =	por !p2, p0  }
0x20: {  	[sflag:s8] =	ssyncset.s32 @!p0 $0xFFFFF086;
	s6 =	sadd.s32 @!p0 s3, s7;
	s7 =	simm.s32 @!p0 $0x108  }
0x21: {  	s3 =	sadd.s32 s3, s9;
	s6 =	sadd.s32 @!p0 $0x88, s6;
	s7 =	simm.s32 @p2 $0x1082  }
0x22: {  	[simem:s7], [sflag:s8] =	dma.local @!p0 [hbm:s6], $0xF7A  }
0x23: {  	s9 =	sor.u32 $0xD0000000, s2;
	s6 =	simm.s32 $0x108;
	_ =	swait.ge @!p0 [sflag:s8], $0x0  }
0x24: {  	s3 =	sadd.s32 $0x88, s3;
	s6 =	simm.s32 @!p1 $0x1082;
	[sflag:s4] =	ssyncset.s32 $0xFFFFF086  }
0x25: {  	[simem:s6], [sflag:s4] =	dma.local [hbm:s3], $0xF7A  }
0x26: {  	[smem:$0x3F9D] =	sst s1;
	(tag) =	ssettag s2;
	_ =	strace s9  }
0x27: {  	s1 =	sld [smem:$0x3FAD]  }
0x28: {  	s2 =	sld [smem:$0x3FAE]  }
0x29: {  	s4 =	sld [smem:$0x3FB0]  }
0x2a: {  	p0 =	seq.s32 s5, $0x0;
	s5 =	sld [smem:$0x3FB1]  }
0x2b: {  	s6 =	sld [smem:$0x3FB2]  }
0x2c: {  	s7 =	sld [smem:$0x3FB3]  }
0x2d: {  	s3 =	simm.s32 $0x108;
	s8 =	sld [smem:$0x3FB4]  }
0x2e: {  	s3 =	simm.s32 @!p0 $0x1082;
	s9 =	sld [smem:$0x3FB5]  }
0x2f: {  	lr =	sadd.s32 s0, s3;
	s0 =	sld [smem:$0x3FAC]  }
0x30: {  	s3 =	sld [smem:$0x3FAF]  }
0x31: {  	[smem:$0x3FB8] =	sst s10  }
0x32: {  	s10 =	sld [smem:$0x3FB6];
	_ =	sdelay $0x3  }
0x33: {  	p0 =	seq.s32 s10, $0x1;
	s10 =	sld [smem:$0x3FB8];
	_ =	sdelay $0x3  }
0x34: {  	[smem:$0x3FB8] =	sst s10  }
0x35: {  	s10 =	sld [smem:$0x3FB7];
	_ =	sdelay $0x3  }
0x36: {  	p1 =	seq.s32 s10, $0x1;
	s10 =	sld [smem:$0x3FB8];
	_ =	sdelay $0x3  }
0x37: {  	[smem:$0x3FB8] =	sst s10  }
0x38: {  	s10 =	sld [smem:$0x3FB9]  }
0x39: {  	_ = 	snop;
	(pc) =	sbr.ind lr, $3  }
0x3a: {  	_ = 	snop  }
0x3b: {  	_ = 	snop  }
0x3c: {  	p2 =	seq.s32 s10, $0x1;
	s10 =	sld [smem:$0x3FB8]  }
0x3d: {  	_ =	shalt  }
0x3e: {  	_ =	shalt  }
0x3f: {  	_ =	shalt  }
0x40: {  	_ =	shalt  }
0x41: {  	_ =	shalt  }
0x42: {  	_ =	shalt  }
0x43: {  	_ =	shalt  }
0x44: {  	_ =	shalt  }
0x45: {  	_ =	shalt  }
0x46: {  	_ =	shalt  }
0x47: {  	_ =	shalt  }
0x48: {  	_ =	shalt  }
0x49: {  	_ =	shalt  }
0x4a: {  	_ =	shalt  }
0x4b: {  	_ =	shalt  }
0x4c: {  	_ =	shalt  }
0x4d: {  	_ =	shalt  }
0x4e: {  	_ =	shalt  }
0x4f: {  	_ =	shalt  }
0x50: {  	_ =	shalt  }
0x51: {  	_ =	shalt  }
0x52: {  	_ =	shalt  }
0x53: {  	_ =	shalt  }
0x54: {  	_ =	shalt  }
0x55: {  	_ =	shalt  }
0x56: {  	_ =	shalt  }
0x57: {  	_ =	shalt  }
0x58: {  	_ =	shalt  }
0x59: {  	_ =	shalt  }
0x5a: {  	_ =	shalt  }
0x5b: {  	_ =	shalt  }
0x5c: {  	_ =	shalt  }
0x5d: {  	_ =	shalt  }
0x5e: {  	_ =	shalt  }
0x5f: {  	_ =	shalt  }
0x60: {  	_ =	shalt  }
0x61: {  	_ =	shalt  }
0x62: {  	_ =	shalt  }
0x63: {  	_ =	shalt  }
0x64: {  	_ =	shalt  }
0x65: {  	_ =	shalt  }
0x66: {  	_ =	shalt  }
0x67: {  	_ =	shalt  }
0x68: {  	_ =	shalt  }
0x69: {  	_ =	shalt  }
0x6a: {  	_ =	shalt  }
0x6b: {  	_ =	shalt  }
0x6c: {  	_ =	shalt  }
0x6d: {  	_ =	shalt  }
0x6e: {  	_ =	shalt  }
0x6f: {  	_ =	shalt  }
0x70: {  	_ =	shalt  }
0x71: {  	_ =	shalt  }
0x72: {  	_ =	shalt  }
0x73: {  	_ =	shalt  }
0x74: {  	_ =	shalt  }
0x75: {  	_ =	shalt  }
0x76: {  	_ =	shalt  }
0x77: {  	_ =	shalt  }
0x78: {  	_ =	shalt  }
0x79: {  	_ =	shalt  }
0x7a: {  	_ =	shalt  }
0x7b: {  	_ =	shalt  }
0x7c: {  	_ =	shalt  }
0x7d: {  	_ =	shalt  }
0x7e: {  	_ =	shalt  }
0x7f: {  	_ =	shalt  }
0x80: {  	_ =	shalt  }
0x81: {  	_ =	shalt  }
0x82: {  	_ =	shalt  }
0x83: {  	_ =	shalt  }
0x84: {  	_ =	shalt  }
0x85: {  	_ =	shalt  }
0x86: {  	_ =	shalt  }
0x87: {  	_ =	shalt  }
.Lfunc_end0:
.L_simem_size_0:
called_computation.2_lowered:
.L_overlay_start_0:
0x88: {  	s2 =	sld [smem:$0x3FD9]  }
0x89: {  	s3 =	sld [smem:$0x3FFE];
	_ =	sdelay $0x1  }
0x8a: {  	s1 =	srdreg.scid  }
0x8b: {  	s0 =	sand.u32 $0x1, s1  }
0x8c: {  	s14 =	sshll.u32 s0, $0xA;
	s2 =	sadd.s32 s3, s2  }
0x8d: {  	s2 =	sadd.s32 s2, s14  }
0x8e: {  	[smem:$0x3FC4] =	sst s2  }
0x8f: {  	_ = 	snop  }
0x90: {  	s2 =	sld [smem:$0x3FD0];
	_ =	sdelay $0x2  }
0x91: {  	s15 =	simm.s32 $0xA;
	s4 =	simm.s32 $0x10  }
0x92: {  	[smem:s4], [sflag:s15] =	dma.local [hbm:s2], $0x1  }
0x93: {  	_ =	swait.eq [sflag:s15], $0x1  }
0x94: {  	[sflag:s15] =	ssyncset.done $0x0  }
0x95: {  	s16 =	sld [smem:$0x10];
	[sflag:s15] =	ssyncadd.s32 $0xFFFFFFFF  }
0x96: {  	s17 =	sld [smem:$0x11];
	(tm) =	ssettm $0x1  }
0x97: {  	s18 =	sld [smem:$0x3FFB];
	_ =	sdelay $0x3  }
0x98: {  	_ =	strace s18  }
0x99: {  	s4 =	sld [smem:$0x3FFC];
	_ =	sdelay $0x3  }
0x9a: {  	_ =	strace s4  }
0x9b: {  	s4 =	sld [smem:$0x3FFD];
	_ =	sdelay $0x3  }
0x9c: {  	_ =	strace s4  }
0x9d: {  	_ =	strace $0x8FFFFFFF  }
0x9e: {  	s19 =	sld [smem:$0x3FDB];
	_ =	sdelay $0x1  }
0x9f: {  	s5 =	simm.s32 $_scs_section_size  }
0xa0: {  	s6 =	simm.s32 $_size__tile_overlayer_lowered;
	s7 =	simm.s32 $_tile_overlayer_lowered  }
0xa1: {  	s22 =	simm.s32 $0x1BFF;
	s21 =	sshll.u32 s7, $0x1;
	s4 =	sadd.s32 s5, s19  }
0xa2: {  	s8 =	simm.s32 $0x0;
	s20 =	sshll.u32 s6, $0x1;
	s6 =	sadd.s32 s21, s4  }
0xa3: {  	[timem:s8], [sflag:s22] =	dma.local [hbm:s6], s20  }
0xa4: {  	_ =	swait.ge [sflag:s22], s20  }
0xa5: {  	s5 =	ssub.s32 $0x0, s20;
	[sflag:s22] =	ssyncset.done $0x0  }
0xa6: {  	[sflag:s22] =	ssyncadd.s32 s5;
	_ =	sdelay $0x1  }
0xa7: {  	s23 =	simm.s32 $0x1B8B  }
0xa8: {  	_ =	swait.ge [sflag:s23], $0x1  }
0xa9: {  	[sflag:s23] =	ssyncset.done $0x0  }
0xaa: {  	s25 =	simm.s32 $0x1B8E;
	s24 =	sld [smem:$0x3FFE];
	[sflag:s23] =	ssyncadd.s32 $0xFFFFFFFF  }
0xab: {  	s26 =	simm.s32 $execute0_lowered;
	[smem:$0x3FD2] =	sst s25  }
0xac: {  	s6 =	sshll.u32 s26, $0x1;
	_ =	strace $0x8000004C;
	[dreg:$0x1] =	wrdreg $0xFFFFFFFF  }
0xad: {  	s28 =	simm.s32 $_size_execute0_lowered;
	s4 =	sadd.s32 s4, s6;
	[dreg:$0x0] =	wrdreg $0x0  }
0xae: {  	s6 =	sshll.u32 s28, $0x1;
	[dreg:$0x2] =	wrdreg s4  }
0xaf: {  	[dreg:$0x3] =	wrdreg s6  }
0xb0: {  	[dreg:$0x4] =	wrdreg $0xC0  }
0xb1: {  	_ =	task [dreg:s8], $0x5FFFF  }
0xb2: {  	[dreg:$0x1] =	wrdreg $0xFFFFFFFF  }
0xb3: {  	[dreg:$0x0] =	wrdreg $0x60  }
0xb4: {  	[dreg:$0x2] =	wrdreg s24  }
0xb5: {  	[dreg:$0x3] =	wrdreg s16  }
0xb6: {  	[dreg:$0x4] =	wrdreg s17  }
0xb7: {  	[dreg:$0x5] =	wrdreg $0xBC000  }
0xb8: {  	[dreg:$0x6] =	wrdreg $0x9  }
0xb9: {  	_ =	task.clear_ibuf [dreg:s8], $0x7FFFF;
	_ =	strace $0x9000004C  }
0xba: {  	s29 =	simm.s32 $0x9;
	_ =	strace $0x8000004E  }
0xbb: {  	_ =	swait.ge [sflag:s29], $0x1  }
0xbc: {  	[sflag:s29] =	ssyncadd.s32 $0xFFFFFFFF  }
0xbd: {  	_ =	strace $0x9000004E  }
0xbe: {  	_ =	sfence  }
0xbf: {  	s30 =	sld [smem:$0x0];
	_ =	sdelay $0x2  }
0xc0: {  	s31 =	sshll.u32 s1, $0xD;
	s1 =	sshrl.u32 s1, $0x2  }
0xc1: {  	s3 =	sand.u32 $0x4000, s31;
	s1 =	sadd.s32 s1, s30  }
0xc2: {  	s0 =	sor.u32 s3, s0;
	s1 =	sshll.u32 s1, $0x11  }
0xc3: {  	s0 =	sor.u32 s1, s0  }
0xc4: {  	s0 =	sadd.s32 $0x8F2B, s0  }
0xc5: {  	[sflag:s0] =	ssyncadd.remote.s32 $0x1  }
0xc6: {  	_ =	sfence.sel $0xFFFF  }
0xc7: {  	[dreg:$0x0] =	wrdreg $0xFFFFFFFF;
	(pc) =	sbr.abs _section_cstart, $3  }
0xc8: {  	[dreg:$0x1] =	wrdreg $0xFFFFFFFF  }
0xc9: {  	_ =	task.clear_ibuf [dreg:s8], $0x2FFFF;
	_ =	strace $0x9FFFFFFF  }
0xca: {  	(tm) =	ssettm $0x7FFFFFFF  }
0xcb: {  	_ =	shalt  }
tec
execute0_lowered:
.L_overlay_start_1:
0x0: {  	(tag) =	ssettag $0x1  }
0x1: {  	s1 =	rddreg [dreg:$0x0]  }
0x2: {  	s7 =	rddreg [dreg:$0x1]  }
0x3: {  	s8 =	rddreg [dreg:$0x2]  }
0x4: {  	s2 =	rddreg [dreg:$0x3]  }
0x5: {  	s0 =	stileid.u32;
	s4 =	srdreg.scid  }
0x6: {  	s3 =	simm.s32 $0x0;
	s14 =	simm.s32 $0x2800;
	s15 =	simm.s32 $0x80  }
0x7: {  	s16 =	simm.s32 $0x3C00;
	s17 =	simm.s32 $0x7C00;
	s18 =	simm.s32 $0x1  }
0x8: {  	s19 =	simm.s32 $0x2;
	s20 =	simm.s32 $0x100;
	s21 =	simm.s32 $0x2880  }
0x9: {  	s22 =	simm.s32 $0x1380;
	s23 =	simm.s32 $0x3B00;
	s24 =	simm.s32 $0x3B80  }
0xa: {  	s28 =	simm.s32 $0x1500;
	s29 =	simm.s32 $0x2780;
	s30 =	simm.s32 $0x0  }
0xb: {  	s5 =	smul.u32 $0x13C00, s0;
	s6 =	sand.u32 $0x1, s4;
	[smem:$0x7FF] =	sst s3  }
0xc: {  	s4 =	sadd.s32 $0x29400, s1;
	s25 =	smul.u32 $0x4F000, s0;
	s26 =	sshll.u32 s0, $0x6  }
0xd: {  	s10 =	smul.u32 $0x13C000, s6;
	_ =	strace $0x8000004D;
	s11 =	sshll.u32 s6, $0x4  }
0xe: {  	s6 =	ssub.s32 $0x2, s6;
	s9 =	sshrl.u32 s5, $0x3;
	s11 =	sor.u32 s0, s11  }
0xf: {  	s12 =	sshrl.u32 s6, $0x1;
	s9 =	sadd.s32 s9, s1;
	s5 =	sadd.s32 s5, s10  }
0x10: {  	s10 =	sshrl.u32 s25, $0x2;
	s11 =	smul.u32 $0x2800, s11;
	s12 =	ssub.s32 s6, s12  }
0x11: {  	s6 =	sor.u32 $0x1C03, s26;
	s25 =	simm.s32 $0x1400;
	s5 =	sshrl.u32 s5, $0x3  }
0x12: {  	s26 =	simm.s32 $0x1480;
	s13 =	sadd.s32 s10, s2;
	s1 =	sadd.s32 s5, s1  }
0x13: {  	s5 =	sadd.s32 $0x50600, s9;
	s31 =	sshrl.u32 s11, $0x3;
	s11 =	smax.u32 s12, $0x1  }
0x14: {  	s12 =	sshrl.u32 s13, $0x3;
	s13 =	simm.s32 $0x3;
	s8 =	sadd.s32 s8, s31  }
0x15: {  	s7 =	sadd.s32 s7, s31;
	s10 =	sadd.s32 $0x77E00, s1;
	s9 =	sadd.s32 $0x280, s8  }
.LBB2_1:
0x16: {  	[spmem:s12], [sflag:s6] =	dma.local [hbm:s5], $0x2780  }
0x17: {  	_ =	swait.ge [sflag:s13], $0x2780  }
0x18: {  	[sflag:s13] =	ssyncset.done $0x0  }
0x19: {  	[sflag:s13] =	ssyncadd.s32 $0xFFFFD880  }
0x1a: {  	[tilespmem:s3], [sflag:$0x3] =	stream.linear.gather [hbm4b:s7+s3], $0x2800, $0x38;
	[tilespmem:$0x1F800] =	vst v63  }
0x1b: {  	_ =	swait.ge [sflag:s13], $0x2800  }
0x1c: {  	[sflag:s13] =	ssyncset.done $0x0  }
0x1d: {  	[sflag:s13] =	ssyncadd.s32 $0xFFFFD800  }
0x1e: {  	[bflag:$0x0] =	sbarrier.arrive $0xFFFF  }
0x1f: {  	[tilespmem:s14], [sflag:$0x3] =	stream.linear.gather [hbm4b:s8+s3], $0x1400, $0x38;
	[tilespmem:$0x1F800] =	vst v63  }
0x20: {  	_ =	swait.ge [sflag:s13], $0x1400  }
0x21: {  	[sflag:s13] =	ssyncset.done $0x0  }
0x22: {  	[sflag:s13] =	ssyncadd.s32 $0xFFFFEC00  }
0x23: {  	[tilespmem:s16], [sflag:$0x1] =	stream.indirect.gather [hbm4b:s4+s15], $0x80, s3, s15, $0xb8;
	[tilespmem:$0x1F800] =	vst v63  }
0x24: {  	_ = 	snop  }
0x25: {  	[tilespmem:s17], [sflag:$0x1] =	stream.indirect.gather [hbm4b:s4+s15], $0x80, s15, s15, $0xb8;
	[tilespmem:$0x1F800] =	vst v63  }
0x26: {  	_ =	swait.ge [sflag:s18], $0x4000  }
0x27: {  	[sflag:s18] =	ssyncset.done $0x0  }
0x28: {  	[sflag:s18] =	ssyncadd.s32 $0xFFFFC000  }
0x29: {  	[spmem:s2] =	stream.indirect.scatter.add.f32 [tilespmem:s16], [sflag:$0x2], $0x80, s14, s15, $0xb8;
	[tilespmem:$0x1F800] =	vst v63  }
0x2a: {  	_ =	swait.ge [sflag:s19], $0x4000  }
0x2b: {  	[sflag:s19] =	ssyncset.done $0x0  }
0x2c: {  	[sflag:s19] =	ssyncadd.s32 $0xFFFFC000  }
0x2d: {  	[tilespmem:s16], [sflag:$0x1] =	stream.indirect.gather [hbm4b:s4+s15], $0x80, s20, s15, $0xb8;
	[tilespmem:$0x1F800] =	vst v63  }
0x2e: {  	_ =	swait.ge [sflag:s18], $0x4000  }
0x2f: {  	[sflag:s18] =	ssyncset.done $0x0  }
0x30: {  	[sflag:s18] =	ssyncadd.s32 $0xFFFFC000  }
0x31: {  	[spmem:s2] =	stream.indirect.scatter.add.f32 [tilespmem:s17], [sflag:$0x2], $0x80, s21, s15, $0xb8;
	[tilespmem:$0x1F800] =	vst v63  }
0x32: {  	_ =	swait.ge [sflag:s19], $0x4000  }
0x33: {  	[sflag:s19] =	ssyncset.done $0x0  }
0x34: {  	s1 =	simm.s32 $0x180;
	[sflag:s19] =	ssyncadd.s32 $0xFFFFC000  }
0x35: {  	[tilespmem:s17], [sflag:$0x1] =	stream.indirect.gather [hbm4b:s4+s15], $0x80, s1, s15, $0xb8;
	[tilespmem:$0x1F800] =	vst v63  }
0x36: {  	_ =	swait.ge [sflag:s18], $0x4000  }
0x37: {  	[sflag:s18] =	ssyncset.done $0x0  }
0x38: {  	s0 =	simm.s32 $0x2900;
	[sflag:s18] =	ssyncadd.s32 $0xFFFFC000  }
0x39: {  	[spmem:s2] =	stream.indirect.scatter.add.f32 [tilespmem:s16], [sflag:$0x2], $0x80, s0, s15, $0xb8;
	[tilespmem:$0x1F800] =	vst v63  }
0x3a: {  	_ =	swait.ge [sflag:s19], $0x4000  }
0x3b: {  	[sflag:s19] =	ssyncset.done $0x0  }
0x3c: {  	s0 =	simm.s32 $0x200;
	[sflag:s19] =	ssyncadd.s32 $0xFFFFC000  }
0x3d: {  	[tilespmem:s16], [sflag:$0x1] =	stream.indirect.gather [hbm4b:s4+s15], $0x80, s0, s15, $0xb8;
	[tilespmem:$0x1F800] =	vst v63  }
0x3e: {  	_ =	swait.ge [sflag:s18], $0x4000  }
0x3f: {  	[sflag:s18] =	ssyncset.done $0x0  }
0x40: {  	s31 =	simm.s32 $0xFFFFBC00;
	s1 =	simm.s32 $0x2980;
	[sflag:s18] =	ssyncadd.s32 $0xFFFFC000  }
.LBB2_2:
0x41: {  	[spmem:s2] =	stream.indirect.scatter.add.f32 [tilespmem:s17], [sflag:$0x2], $0x80, s1, s15, $0xb8;
	[tilespmem:$0x1F800] =	vst v63  }
0x42: {  	s1 =	smov.u32 s31  }
0x43: {  	p0 =	sne.s32 s31, $0xFFFFFC00;
	s31 =	sadd.s32 $0x400, s31;
	_ =	swait.ge [sflag:s19], $0x4000  }
0x44: {  	s1 =	sshra.s32 s1, $0x2;
	[sflag:s19] =	ssyncset.done $0x0  }
0x45: {  	s0 =	sadd.s32 $0x1380, s1;
	[sflag:s19] =	ssyncadd.s32 $0xFFFFC000  }
0x46: {  	[tilespmem:s17], [sflag:$0x1] =	stream.indirect.gather [hbm4b:s4+s15], $0x80, s0, s15, $0xb8;
	[tilespmem:$0x1F800] =	vst v63  }
0x47: {  	_ =	swait.ge [sflag:s18], $0x4000  }
0x48: {  	[sflag:s18] =	ssyncset.done $0x0  }
0x49: {  	s0 =	sadd.s32 $0x3B00, s1;
	[sflag:s18] =	ssyncadd.s32 $0xFFFFC000  }
0x4a: {  	[spmem:s2] =	stream.indirect.scatter.add.f32 [tilespmem:s16], [sflag:$0x2], $0x80, s0, s15, $0xb8;
	[tilespmem:$0x1F800] =	vst v63  }
0x4b: {  	_ =	swait.ge [sflag:s19], $0x4000  }
0x4c: {  	[sflag:s19] =	ssyncset.done $0x0  }
.Ltmp0:
0x4d: {  	s0 =	sadd.s32 $0x1400, s1;
	[sflag:s19] =	ssyncadd.s32 $0xFFFFC000;
	(pc) =	sbr.rel @p0 .LBB2_2-.Ltmp0, $4  }
0x4e: {  	[tilespmem:s16], [sflag:$0x1] =	stream.indirect.gather [hbm4b:s4+s15], $0x80, s0, s15, $0xb8;
	[tilespmem:$0x1F800] =	vst v63  }
0x4f: {  	_ =	swait.ge [sflag:s18], $0x4000  }
0x50: {  	[sflag:s18] =	ssyncset.done $0x0  }
0x51: {  	s1 =	sadd.s32 $0x3B80, s1;
	[sflag:s18] =	ssyncadd.s32 $0xFFFFC000  }
0x52: {  	[spmem:s2] =	stream.indirect.scatter.add.f32 [tilespmem:s17], [sflag:$0x2], $0x80, s1, s15, $0xb8;
	[tilespmem:$0x1F800] =	vst v63  }
0x53: {  	_ =	swait.ge [sflag:s19], $0x4000  }
0x54: {  	[sflag:s19] =	ssyncset.done $0x0  }
0x55: {  	[sflag:s19] =	ssyncadd.s32 $0xFFFFC000  }
0x56: {  	[tilespmem:s17], [sflag:$0x1] =	stream.indirect.gather [hbm4b:s4+s15], $0x80, s22, s15, $0xb8;
	[tilespmem:$0x1F800] =	vst v63  }
0x57: {  	_ =	swait.ge [sflag:s18], $0x4000  }
0x58: {  	[sflag:s18] =	ssyncset.done $0x0  }
0x59: {  	[sflag:s18] =	ssyncadd.s32 $0xFFFFC000  }
0x5a: {  	[spmem:s2] =	stream.indirect.scatter.add.f32 [tilespmem:s16], [sflag:$0x2], $0x80, s23, s15, $0xb8;
	[tilespmem:$0x1F800] =	vst v63  }
0x5b: {  	_ =	swait.ge [sflag:s19], $0x4000  }
0x5c: {  	[sflag:s19] =	ssyncset.done $0x0  }
0x5d: {  	[sflag:s19] =	ssyncadd.s32 $0xFFFFC000  }
0x5e: {  	_ =	swait.ge [sflag:s18], $0x4000  }
0x5f: {  	[sflag:s18] =	ssyncset.done $0x0  }
0x60: {  	[sflag:s18] =	ssyncadd.s32 $0xFFFFC000  }
0x61: {  	[spmem:s2] =	stream.indirect.scatter.add.f32 [tilespmem:s17], [sflag:$0x2], $0x80, s24, s15, $0xb8;
	[tilespmem:$0x1F800] =	vst v63  }
0x62: {  	_ =	swait.ge [sflag:s19], $0x4000  }
0x63: {  	[sflag:s19] =	ssyncset.done $0x0  }
0x64: {  	[sflag:s19] =	ssyncadd.s32 $0xFFFFC000  }
0x65: {  	[tilespmem:s14], [sflag:$0x3] =	stream.linear.gather [hbm4b:s9+s3], $0x1400, $0x38;
	[tilespmem:$0x1F800] =	vst v63  }
0x66: {  	_ =	swait.ge [sflag:s13], $0x1400  }
0x67: {  	[sflag:s13] =	ssyncset.done $0x0  }
0x68: {  	[sflag:s13] =	ssyncadd.s32 $0xFFFFEC00  }
0x69: {  	[tilespmem:s16], [sflag:$0x1] =	stream.indirect.gather [hbm4b:s4+s15], $0x80, s25, s15, $0xb8;
	[tilespmem:$0x1F800] =	vst v63  }
0x6a: {  	_ = 	snop  }
0x6b: {  	[tilespmem:s17], [sflag:$0x1] =	stream.indirect.gather [hbm4b:s4+s15], $0x80, s26, s15, $0xb8;
	[tilespmem:$0x1F800] =	vst v63  }
0x6c: {  	_ =	swait.ge [sflag:s18], $0x4000  }
0x6d: {  	[sflag:s18] =	ssyncset.done $0x0  }
0x6e: {  	[sflag:s18] =	ssyncadd.s32 $0xFFFFC000  }
0x6f: {  	[spmem:s2] =	stream.indirect.scatter.add.f32 [tilespmem:s16], [sflag:$0x2], $0x80, s14, s15, $0xb8;
	[tilespmem:$0x1F800] =	vst v63  }
0x70: {  	_ =	swait.ge [sflag:s19], $0x4000  }
0x71: {  	[sflag:s19] =	ssyncset.done $0x0  }
0x72: {  	[sflag:s19] =	ssyncadd.s32 $0xFFFFC000  }
0x73: {  	[tilespmem:s16], [sflag:$0x1] =	stream.indirect.gather [hbm4b:s4+s15], $0x80, s28, s15, $0xb8;
	[tilespmem:$0x1F800] =	vst v63  }
0x74: {  	_ =	swait.ge [sflag:s18], $0x4000  }
0x75: {  	[sflag:s18] =	ssyncset.done $0x0  }
0x76: {  	[sflag:s18] =	ssyncadd.s32 $0xFFFFC000  }
0x77: {  	[spmem:s2] =	stream.indirect.scatter.add.f32 [tilespmem:s17], [sflag:$0x2], $0x80, s21, s15, $0xb8;
	[tilespmem:$0x1F800] =	vst v63  }
0x78: {  	_ =	swait.ge [sflag:s19], $0x4000  }
0x79: {  	[sflag:s19] =	ssyncset.done $0x0  }
0x7a: {  	s0 =	simm.s32 $0x1580;
	[sflag:s19] =	ssyncadd.s32 $0xFFFFC000  }
0x7b: {  	[tilespmem:s17], [sflag:$0x1] =	stream.indirect.gather [hbm4b:s4+s15], $0x80, s0, s15, $0xb8;
	[tilespmem:$0x1F800] =	vst v63  }
0x7c: {  	_ =	swait.ge [sflag:s18], $0x4000  }
0x7d: {  	[sflag:s18] =	ssyncset.done $0x0  }
0x7e: {  	s1 =	simm.s32 $0x2900;
	[sflag:s18] =	ssyncadd.s32 $0xFFFFC000  }
0x7f: {  	[spmem:s2] =	stream.indirect.scatter.add.f32 [tilespmem:s16], [sflag:$0x2], $0x80, s1, s15, $0xb8;
	[tilespmem:$0x1F800] =	vst v63  }
0x80: {  	_ =	swait.ge [sflag:s19], $0x4000  }
0x81: {  	[sflag:s19] =	ssyncset.done $0x0  }
0x82: {  	s1 =	simm.s32 $0x1600;
	[sflag:s19] =	ssyncadd.s32 $0xFFFFC000  }
0x83: {  	[tilespmem:s16], [sflag:$0x1] =	stream.indirect.gather [hbm4b:s4+s15], $0x80, s1, s15, $0xb8;
	[tilespmem:$0x1F800] =	vst v63  }
0x84: {  	_ =	swait.ge [sflag:s18], $0x4000  }
0x85: {  	[sflag:s18] =	ssyncset.done $0x0  }
0x86: {  	s31 =	simm.s32 $0xFFFFBC00;
	s1 =	simm.s32 $0x2980;
	[sflag:s18] =	ssyncadd.s32 $0xFFFFC000  }
.LBB2_4:
0x87: {  	[spmem:s2] =	stream.indirect.scatter.add.f32 [tilespmem:s17], [sflag:$0x2], $0x80, s1, s15, $0xb8;
	[tilespmem:$0x1F800] =	vst v63  }
0x88: {  	s0 =	smov.u32 s31  }
0x89: {  	p0 =	sne.s32 s31, $0xFFFFFC00;
	s31 =	sadd.s32 $0x400, s31;
	_ =	swait.ge [sflag:s19], $0x4000  }
0x8a: {  	s0 =	sshra.s32 s0, $0x2;
	[sflag:s19] =	ssyncset.done $0x0  }
0x8b: {  	s1 =	sadd.s32 $0x2780, s0;
	[sflag:s19] =	ssyncadd.s32 $0xFFFFC000  }
0x8c: {  	[tilespmem:s17], [sflag:$0x1] =	stream.indirect.gather [hbm4b:s4+s15], $0x80, s1, s15, $0xb8;
	[tilespmem:$0x1F800] =	vst v63  }
0x8d: {  	_ =	swait.ge [sflag:s18], $0x4000  }
0x8e: {  	[sflag:s18] =	ssyncset.done $0x0  }
0x8f: {  	s1 =	sadd.s32 $0x3B00, s0;
	[sflag:s18] =	ssyncadd.s32 $0xFFFFC000  }
0x90: {  	[spmem:s2] =	stream.indirect.scatter.add.f32 [tilespmem:s16], [sflag:$0x2], $0x80, s1, s15, $0xb8;
	[tilespmem:$0x1F800] =	vst v63  }
0x91: {  	_ =	swait.ge [sflag:s19], $0x4000  }
0x92: {  	[sflag:s19] =	ssyncset.done $0x0  }
.Ltmp1:
0x93: {  	s1 =	sadd.s32 $0x2800, s0;
	[sflag:s19] =	ssyncadd.s32 $0xFFFFC000;
	(pc) =	sbr.rel @p0 .LBB2_4-.Ltmp1, $4  }
0x94: {  	[tilespmem:s16], [sflag:$0x1] =	stream.indirect.gather [hbm4b:s4+s15], $0x80, s1, s15, $0xb8;
	[tilespmem:$0x1F800] =	vst v63  }
0x95: {  	_ =	swait.ge [sflag:s18], $0x4000  }
0x96: {  	[sflag:s18] =	ssyncset.done $0x0  }
0x97: {  	s1 =	sadd.s32 $0x3B80, s0;
	[sflag:s18] =	ssyncadd.s32 $0xFFFFC000  }
0x98: {  	[spmem:s2] =	stream.indirect.scatter.add.f32 [tilespmem:s17], [sflag:$0x2], $0x80, s1, s15, $0xb8;
	[tilespmem:$0x1F800] =	vst v63  }
0x99: {  	_ =	swait.ge [sflag:s19], $0x4000  }
0x9a: {  	[sflag:s19] =	ssyncset.done $0x0  }
0x9b: {  	[sflag:s19] =	ssyncadd.s32 $0xFFFFC000  }
0x9c: {  	[tilespmem:s17], [sflag:$0x1] =	stream.indirect.gather [hbm4b:s4+s15], $0x80, s29, s15, $0xb8;
	[tilespmem:$0x1F800] =	vst v63  }
0x9d: {  	_ =	swait.ge [sflag:s18], $0x4000  }
0x9e: {  	[sflag:s18] =	ssyncset.done $0x0  }
0x9f: {  	[sflag:s18] =	ssyncadd.s32 $0xFFFFC000  }
0xa0: {  	[spmem:s2] =	stream.indirect.scatter.add.f32 [tilespmem:s16], [sflag:$0x2], $0x80, s23, s15, $0xb8;
	[tilespmem:$0x1F800] =	vst v63  }
0xa1: {  	_ =	swait.ge [sflag:s19], $0x4000  }
0xa2: {  	[sflag:s19] =	ssyncset.done $0x0  }
0xa3: {  	[sflag:s19] =	ssyncadd.s32 $0xFFFFC000  }
0xa4: {  	_ =	swait.ge [sflag:s18], $0x4000  }
0xa5: {  	[sflag:s18] =	ssyncset.done $0x0  }
0xa6: {  	[sflag:s18] =	ssyncadd.s32 $0xFFFFC000  }
0xa7: {  	[spmem:s2] =	stream.indirect.scatter.add.f32 [tilespmem:s17], [sflag:$0x2], $0x80, s24, s15, $0xb8;
	[tilespmem:$0x1F800] =	vst v63  }
0xa8: {  	_ =	swait.ge [sflag:s19], $0x4000  }
0xa9: {  	s30 =	sadd.s32 $0x1, s30;
	[sflag:s19] =	ssyncset.done $0x0  }
0xaa: {  	p0 =	sne.s32 s30, s11;
	[sflag:s19] =	ssyncadd.s32 $0xFFFFC000  }
.Ltmp2:
0xab: {  	[bflag:$0x0] =	sbarrier.arrive $0xFFFF;
	(pc) =	sbr.rel @p0 .LBB2_1-.Ltmp2, $4  }
0xac: {  	[hbm:s10], [sflag:s6] =	dma.local [spmem:s12], $0x2780  }
0xad: {  	_ =	swait.ge [sflag:s13], $0x2780  }
0xae: {  	[sflag:s13] =	ssyncset.done $0x0  }
0xaf: {  	[sflag:s13] =	ssyncadd.s32 $0xFFFFD880  }
0xb0: {  	_ =	sfence.sel $0x180000  }
0xb1: {  	[bflag:$0x0] =	sbarrier.arrive $0xFFFF  }
0xb2: {  	_ =	strace $0x9000004D  }
0xb3: {  	s0 =	stileid.u32;
	[bflag:$0x2] =	sbarrier.arrive $0xFFFF  }
0xb4: {  	p0 =	sne.s32 s0, $0x0;
	s0 =	rddreg [dreg:$0x4]  }
0xb5: {  	s0 =	sadd.s32 @!p0 $0x100000, s0  }
0xb6: {  	[sflag:s0] =	ssyncadd.tile.s32 @!p0 $0x1;
	_ =	shalt  }
.Lfunc_end2:
_tile_overlayer_lowered:
.L_overlay_start_2:
0xb7: {  	(tag) =	ssettag $0x2  }
0xb8: {  	s0 =	rddreg [dreg:$0x0];
	s2 =	stileid.u32  }
0xb9: {  	s1 =	rddreg [dreg:$0x1];
	p0 =	sne.s32 s2, $0x0  }
0xba: {  	s3 =	rddreg [dreg:$0x2];
	[bflag:$0x3] =	sbarrier.arrive $0xFFFF;
	s2 =	simm.s32 @!p0 $0x1C03  }
0xbb: {  	[timem:s3], [sflag:s2] =	dma.local @!p0 [hbm:s0], s1  }
0xbc: {  	s0 =	simm.s32 @!p0 $0x3  }
0xbd: {  	_ =	swait.ge @!p0 [sflag:s0], s1  }
0xbe: {  	s1 =	ssub.s32 @!p0 $0x0, s1;
	[sflag:s0] =	ssyncset.done @!p0 $0x0  }
0xbf: {  	[sflag:s0] =	ssyncadd.s32 @!p0 s1  }
0xc0: {  	[bflag:$0x3] =	sbarrier.arrive $0xFFFF  }
0xc1: {  	_ =	shalt  }

// kernel: kernel.9.cloned.1.call-start
scs
__scs_entry_jumppad:
0x0: {  	(pc) =	sbr.rel $0x88, $3  }
0x1: {  	(tag) =	ssettag $0x0;
	lr =	simm.s32 $0x1  }
0x2: {  	[smem:$0x3F9D] =	sst lr;
	_ =	strace $0xD0000000  }
0x3: {  	_ = 	snop  }
0x4: {  	_ = 	snop  }
0x5: {  	_ = 	snop  }
0x6: {  	_ = 	snop  }
0x7: {  	_ = 	snop  }
__scs_overlays_trampoline_lowered:
0x8: {  	[smem:$0x3FAC] =	sst s0  }
0x9: {  	[smem:$0x3FAD] =	sst s1  }
0xa: {  	[smem:$0x3FAE] =	sst s2  }
0xb: {  	[smem:$0x3FAF] =	sst s3  }
0xc: {  	[smem:$0x3FB0] =	sst s4  }
0xd: {  	[smem:$0x3FB1] =	sst s5  }
0xe: {  	[smem:$0x3FB2] =	sst s6  }
0xf: {  	[smem:$0x3FB3] =	sst s7  }
0x10: {  	[smem:$0x3FB4] =	sst s8  }
0x11: {  	[smem:$0x3FB5] =	sst s9;
	s0 =	simm.s32 @!p0 $0x0  }
0x12: {  	s1 =	sld [smem:$0x3F9B];
	s0 =	simm.s32 @p0 $0x1  }
0x13: {  	[smem:$0x3FB6] =	sst s0;
	s0 =	simm.s32 @!p1 $0x0  }
0x14: {  	s2 =	sld [smem:$0x3F9A];
	s0 =	simm.s32 @p1 $0x1  }
0x15: {  	[smem:$0x3FB7] =	sst s0;
	s0 =	simm.s32 @!p2 $0x0  }
0x16: {  	s3 =	sld [smem:$0x3FDB];
	s0 =	simm.s32 @p2 $0x1  }
0x17: {  	s4 =	simm.s32 $0x1BF5;
	[smem:$0x3FB9] =	sst s0  }
0x18: {  	s0 =	sld [smem:$0x3F9C];
	_ =	swait.ge [sflag:s4], $0x0  }
0x19: {  	s7 =	sld [smem:$0x3F9D]  }
0x1a: {  	s8 =	sadd.s32 $0xFFFFE003, lr  }
0x1b: {  	s9 =	sadd.s32 $0xFFFFFEF7, lr;
	s5 =	simm.s32 $0xFFFFFFFF;
	p2 =	slt.u32 s8, $0xFFFFF086  }
0x1c: {  	p1 =	slt.u32 s9, $0xF7A;
	s5 =	simm.s32 @!p2 $0x0  }
0x1d: {  	s5 =	simm.s32 @p1 $0x1;
	p0 =	seq.s32 s7, s2  }
0x1e: {  	s7 =	smul.u32 @!p0 $0xF7A, s2;
	p2 =	seq.s32 @!p0 s5, $0x0  }
0x1f: {  	s9 =	smul.u32 $0xF7A, s1;
	s8 =	simm.s32 @!p0 $0x1BF5;
	p2 =	por !p2, p0  }
0x20: {  	[sflag:s8] =	ssyncset.s32 @!p0 $0xFFFFF086;
	s6 =	sadd.s32 @!p0 s3, s7;
	s7 =	simm.s32 @!p0 $0x108  }
0x21: {  	s3 =	sadd.s32 s3, s9;
	s6 =	sadd.s32 @!p0 $0x88, s6;
	s7 =	simm.s32 @p2 $0x1082  }
0x22: {  	[simem:s7], [sflag:s8] =	dma.local @!p0 [hbm:s6], $0xF7A  }
0x23: {  	s9 =	sor.u32 $0xD0000000, s2;
	s6 =	simm.s32 $0x108;
	_ =	swait.ge @!p0 [sflag:s8], $0x0  }
0x24: {  	s3 =	sadd.s32 $0x88, s3;
	s6 =	simm.s32 @!p1 $0x1082;
	[sflag:s4] =	ssyncset.s32 $0xFFFFF086  }
0x25: {  	[simem:s6], [sflag:s4] =	dma.local [hbm:s3], $0xF7A  }
0x26: {  	[smem:$0x3F9D] =	sst s1;
	(tag) =	ssettag s2;
	_ =	strace s9  }
0x27: {  	s1 =	sld [smem:$0x3FAD]  }
0x28: {  	s2 =	sld [smem:$0x3FAE]  }
0x29: {  	s4 =	sld [smem:$0x3FB0]  }
0x2a: {  	p0 =	seq.s32 s5, $0x0;
	s5 =	sld [smem:$0x3FB1]  }
0x2b: {  	s6 =	sld [smem:$0x3FB2]  }
0x2c: {  	s7 =	sld [smem:$0x3FB3]  }
0x2d: {  	s3 =	simm.s32 $0x108;
	s8 =	sld [smem:$0x3FB4]  }
0x2e: {  	s3 =	simm.s32 @!p0 $0x1082;
	s9 =	sld [smem:$0x3FB5]  }
0x2f: {  	lr =	sadd.s32 s0, s3;
	s0 =	sld [smem:$0x3FAC]  }
0x30: {  	s3 =	sld [smem:$0x3FAF]  }
0x31: {  	[smem:$0x3FB8] =	sst s10  }
0x32: {  	s10 =	sld [smem:$0x3FB6];
	_ =	sdelay $0x3  }
0x33: {  	p0 =	seq.s32 s10, $0x1;
	s10 =	sld [smem:$0x3FB8];
	_ =	sdelay $0x3  }
0x34: {  	[smem:$0x3FB8] =	sst s10  }
0x35: {  	s10 =	sld [smem:$0x3FB7];
	_ =	sdelay $0x3  }
0x36: {  	p1 =	seq.s32 s10, $0x1;
	s10 =	sld [smem:$0x3FB8];
	_ =	sdelay $0x3  }
0x37: {  	[smem:$0x3FB8] =	sst s10  }
0x38: {  	s10 =	sld [smem:$0x3FB9]  }
0x39: {  	_ = 	snop;
	(pc) =	sbr.ind lr, $3  }
0x3a: {  	_ = 	snop  }
0x3b: {  	_ = 	snop  }
0x3c: {  	p2 =	seq.s32 s10, $0x1;
	s10 =	sld [smem:$0x3FB8]  }
0x3d: {  	_ =	shalt  }
0x3e: {  	_ =	shalt  }
0x3f: {  	_ =	shalt  }
0x40: {  	_ =	shalt  }
0x41: {  	_ =	shalt  }
0x42: {  	_ =	shalt  }
0x43: {  	_ =	shalt  }
0x44: {  	_ =	shalt  }
0x45: {  	_ =	shalt  }
0x46: {  	_ =	shalt  }
0x47: {  	_ =	shalt  }
0x48: {  	_ =	shalt  }
0x49: {  	_ =	shalt  }
0x4a: {  	_ =	shalt  }
0x4b: {  	_ =	shalt  }
0x4c: {  	_ =	shalt  }
0x4d: {  	_ =	shalt  }
0x4e: {  	_ =	shalt  }
0x4f: {  	_ =	shalt  }
0x50: {  	_ =	shalt  }
0x51: {  	_ =	shalt  }
0x52: {  	_ =	shalt  }
0x53: {  	_ =	shalt  }
0x54: {  	_ =	shalt  }
0x55: {  	_ =	shalt  }
0x56: {  	_ =	shalt  }
0x57: {  	_ =	shalt  }
0x58: {  	_ =	shalt  }
0x59: {  	_ =	shalt  }
0x5a: {  	_ =	shalt  }
0x5b: {  	_ =	shalt  }
0x5c: {  	_ =	shalt  }
0x5d: {  	_ =	shalt  }
0x5e: {  	_ =	shalt  }
0x5f: {  	_ =	shalt  }
0x60: {  	_ =	shalt  }
0x61: {  	_ =	shalt  }
0x62: {  	_ =	shalt  }
0x63: {  	_ =	shalt  }
0x64: {  	_ =	shalt  }
0x65: {  	_ =	shalt  }
0x66: {  	_ =	shalt  }
0x67: {  	_ =	shalt  }
0x68: {  	_ =	shalt  }
0x69: {  	_ =	shalt  }
0x6a: {  	_ =	shalt  }
0x6b: {  	_ =	shalt  }
0x6c: {  	_ =	shalt  }
0x6d: {  	_ =	shalt  }
0x6e: {  	_ =	shalt  }
0x6f: {  	_ =	shalt  }
0x70: {  	_ =	shalt  }
0x71: {  	_ =	shalt  }
0x72: {  	_ =	shalt  }
0x73: {  	_ =	shalt  }
0x74: {  	_ =	shalt  }
0x75: {  	_ =	shalt  }
0x76: {  	_ =	shalt  }
0x77: {  	_ =	shalt  }
0x78: {  	_ =	shalt  }
0x79: {  	_ =	shalt  }
0x7a: {  	_ =	shalt  }
0x7b: {  	_ =	shalt  }
0x7c: {  	_ =	shalt  }
0x7d: {  	_ =	shalt  }
0x7e: {  	_ =	shalt  }
0x7f: {  	_ =	shalt  }
0x80: {  	_ =	shalt  }
0x81: {  	_ =	shalt  }
0x82: {  	_ =	shalt  }
0x83: {  	_ =	shalt  }
0x84: {  	_ =	shalt  }
0x85: {  	_ =	shalt  }
0x86: {  	_ =	shalt  }
0x87: {  	_ =	shalt  }
.Lfunc_end0:
.L_simem_size_0:
called_computation_lowered:
.L_overlay_start_0:
0x88: {  	s2 =	sld [smem:$0x3FD9]  }
0x89: {  	s3 =	sld [smem:$0x3FFE];
	_ =	sdelay $0x1  }
0x8a: {  	s1 =	srdreg.scid  }
0x8b: {  	s0 =	sand.u32 $0x1, s1  }
0x8c: {  	s14 =	sshll.u32 s0, $0xA;
	s2 =	sadd.s32 s3, s2  }
0x8d: {  	s2 =	sadd.s32 s2, s14  }
0x8e: {  	[smem:$0x3FC4] =	sst s2  }
0x8f: {  	_ = 	snop  }
0x90: {  	s2 =	sld [smem:$0x3FD0];
	_ =	sdelay $0x2  }
0x91: {  	s15 =	simm.s32 $0xA;
	s4 =	simm.s32 $0x10  }
0x92: {  	[smem:s4], [sflag:s15] =	dma.local [hbm:s2], $0x1  }
0x93: {  	_ =	swait.eq [sflag:s15], $0x1  }
0x94: {  	[sflag:s15] =	ssyncset.done $0x0  }
0x95: {  	[sflag:s15] =	ssyncadd.s32 $0xFFFFFFFF  }
0x96: {  	s16 =	sld [smem:$0x11];
	(tm) =	ssettm $0x1  }
0x97: {  	s17 =	sld [smem:$0x3FFB];
	_ =	sdelay $0x3  }
0x98: {  	_ =	strace s17  }
0x99: {  	s3 =	sld [smem:$0x3FFC];
	_ =	sdelay $0x3  }
0x9a: {  	_ =	strace s3  }
0x9b: {  	s3 =	sld [smem:$0x3FFD];
	_ =	sdelay $0x3  }
0x9c: {  	_ =	strace s3  }
0x9d: {  	_ =	strace $0x8FFFFFFF  }
0x9e: {  	s18 =	sld [smem:$0x3FDB];
	_ =	sdelay $0x1  }
0x9f: {  	s19 =	simm.s32 $_scs_section_size  }
0xa0: {  	s5 =	simm.s32 $_size__tile_overlayer_lowered;
	s6 =	simm.s32 $_tile_overlayer_lowered  }
0xa1: {  	s22 =	simm.s32 $0x1BFF;
	s21 =	sshll.u32 s6, $0x1;
	s3 =	sadd.s32 s19, s18  }
0xa2: {  	s7 =	simm.s32 $0x0;
	s20 =	sshll.u32 s5, $0x1;
	s5 =	sadd.s32 s21, s3  }
0xa3: {  	[timem:s7], [sflag:s22] =	dma.local [hbm:s5], s20  }
0xa4: {  	_ =	swait.ge [sflag:s22], s20  }
0xa5: {  	s4 =	ssub.s32 $0x0, s20;
	[sflag:s22] =	ssyncset.done $0x0  }
0xa6: {  	[sflag:s22] =	ssyncadd.s32 s4;
	_ =	sdelay $0x1  }
0xa7: {  	s23 =	simm.s32 $0x1B8B  }
0xa8: {  	_ =	swait.ge [sflag:s23], $0x1  }
0xa9: {  	[sflag:s23] =	ssyncset.done $0x0  }
0xaa: {  	s25 =	simm.s32 $0x1B8E;
	s24 =	sld [smem:$0x3FFE];
	[sflag:s23] =	ssyncadd.s32 $0xFFFFFFFF  }
0xab: {  	s26 =	simm.s32 $execute0_lowered;
	[smem:$0x3FD2] =	sst s25  }
0xac: {  	s5 =	sshll.u32 s26, $0x1;
	_ =	strace $0x80000046;
	[dreg:$0x1] =	wrdreg $0xFFFFFFFF  }
0xad: {  	s28 =	simm.s32 $_size_execute0_lowered;
	s3 =	sadd.s32 s3, s5;
	[dreg:$0x0] =	wrdreg $0x0  }
0xae: {  	s5 =	sshll.u32 s28, $0x1;
	[dreg:$0x2] =	wrdreg s3  }
0xaf: {  	[dreg:$0x3] =	wrdreg s5  }
0xb0: {  	[dreg:$0x4] =	wrdreg $0xC0  }
0xb1: {  	_ =	task [dreg:s7], $0x5FFFF  }
0xb2: {  	[dreg:$0x1] =	wrdreg $0xFFFFFFFF  }
0xb3: {  	[dreg:$0x0] =	wrdreg $0x60  }
0xb4: {  	[dreg:$0x2] =	wrdreg s16  }
0xb5: {  	[dreg:$0x3] =	wrdreg s24  }
0xb6: {  	[dreg:$0x4] =	wrdreg $0x28800  }
0xb7: {  	[dreg:$0x5] =	wrdreg $0x9  }
0xb8: {  	_ =	task.clear_ibuf [dreg:s7], $0x6FFFF;
	_ =	strace $0x90000046  }
0xb9: {  	s29 =	simm.s32 $0x9;
	_ =	strace $0x80000048  }
0xba: {  	_ =	swait.ge [sflag:s29], $0x1  }
0xbb: {  	[sflag:s29] =	ssyncadd.s32 $0xFFFFFFFF  }
0xbc: {  	_ =	strace $0x90000048  }
0xbd: {  	_ =	sfence  }
0xbe: {  	s30 =	sld [smem:$0x0];
	_ =	sdelay $0x2  }
0xbf: {  	s31 =	sshll.u32 s1, $0xD;
	s1 =	sshrl.u32 s1, $0x2  }
0xc0: {  	s3 =	sand.u32 $0x4000, s31;
	s1 =	sadd.s32 s1, s30  }
0xc1: {  	s0 =	sor.u32 s3, s0;
	s1 =	sshll.u32 s1, $0x11  }
0xc2: {  	s0 =	sor.u32 s1, s0  }
0xc3: {  	s0 =	sadd.s32 $0x8F2B, s0  }
0xc4: {  	[sflag:s0] =	ssyncadd.remote.s32 $0x1  }
0xc5: {  	_ =	sfence.sel $0xFFFF  }
0xc6: {  	[dreg:$0x0] =	wrdreg $0xFFFFFFFF;
	(pc) =	sbr.abs _section_cstart, $3  }
0xc7: {  	[dreg:$0x1] =	wrdreg $0xFFFFFFFF  }
0xc8: {  	_ =	task.clear_ibuf [dreg:s7], $0x2FFFF;
	_ =	strace $0x9FFFFFFF  }
0xc9: {  	(tm) =	ssettm $0x7FFFFFFF  }
tec
execute0_lowered:
.L_overlay_start_1:
0x0: {  	(tag) =	ssettag $0x1  }
0x1: {  	s6 =	rddreg [dreg:$0x0]  }
0x2: {  	s4 =	rddreg [dreg:$0x1]  }
0x3: {  	s2 =	rddreg [dreg:$0x2]  }
0x4: {  	s1 =	stileid.u32;
	s0 =	rddreg [dreg:$0x3];
	s3 =	simm.s32 $0x0  }
0x5: {  	s7 =	srdreg.scid;
	s12 =	simm.s32 $0x2800;
	s13 =	simm.s32 $0x1  }
0x6: {  	s14 =	simm.s32 $0x20;
	s15 =	simm.s32 $0x10;
	s16 =	simm.s32 $0x0  }
0x7: {  	s5 =	smul.u32 $0x280, s1;
	[smem:$0x7FF] =	sst s3;
	s7 =	sand.u32 $0x1, s7  }
0x8: {  	s9 =	smul.u32 $0x500, s1;
	s31 =	sshll.u32 s1, $0x6;
	_ =	strace $0x80000047  }
0x9: {  	s10 =	sshll.u32 s7, $0x7;
	s29 =	ssub.s32 $0x2, s7;
	s7 =	sshll.u32 s7, $0x4  }
0xa: {  	s8 =	sshrl.u32 s5, $0x3;
	s9 =	sor.u32 s10, s9;
	s11 =	sshrl.u32 s29, $0x1  }
0xb: {  	s7 =	sor.u32 s1, s7;
	s30 =	sadd.s32 s5, s2;
	s5 =	sor.u32 $0x1C02, s31  }
0xc: {  	s8 =	sadd.s32 s8, s4;
	s9 =	sshrl.u32 s9, $0x3;
	s10 =	ssub.s32 s29, s11  }
0xd: {  	s7 =	smul.u32 $0x500, s7;
	s11 =	simm.s32 $0x80;
	s9 =	sadd.s32 s9, s4  }
0xe: {  	s4 =	sadd.s32 $0x2200, s8;
	s8 =	smax.u32 s10, $0x1;
	s10 =	simm.s32 $0x2  }
0xf: {  	v0 =	vimm.f32 $1.000000000e+00;
	s6 =	sadd.s32 s6, s7;
	s7 =	sadd.s32 $0x2800, s9;
	s9 =	sshrl.u32 s30, $0x3  }
.LBB2_1:
0x10: {  	[tilespmem:$0x2800] =	vst v0  }
0x11: {  	[tilespmem:$0x2810] =	vst v0  }
0x12: {  	[tilespmem:$0x2820] =	vst v0  }
0x13: {  	[tilespmem:$0x2830] =	vst v0  }
0x14: {  	[tilespmem:$0x2840] =	vst v0  }
0x15: {  	[tilespmem:$0x2850] =	vst v0  }
0x16: {  	[tilespmem:$0x2860] =	vst v0  }
0x17: {  	[tilespmem:$0x2870] =	vst v0  }
0x18: {  	[spmem:s9], [sflag:s5] =	dma.local [hbm:s4], $0x50  }
0x19: {  	_ =	swait.ge [sflag:s10], $0x50  }
0x1a: {  	[sflag:s10] =	ssyncset.done $0x0  }
0x1b: {  	[sflag:s10] =	ssyncadd.s32 $0xFFFFFFB0  }
0x1c: {  	[tilespmem:s3], [sflag:$0x2] =	stream.linear.gather [hbm4b:s6+s3], $0x2800, $0x38;
	[tilespmem:$0x2B00] =	vst v63  }
0x1d: {  	_ =	swait.ge [sflag:s10], $0x2800  }
0x1e: {  	[sflag:s10] =	ssyncset.done $0x0  }
0x1f: {  	[sflag:s10] =	ssyncadd.s32 $0xFFFFD800  }
0x20: {  	s17 =	simm.s32 $0x0;
	[bflag:$0x0] =	sbarrier.arrive $0xFFFF  }
.LBB2_2:
0x21: {  	p0 =	sne.s32 s17, $0x9E00  }
.Ltmp0:
0x22: {  	_ = 	snop;
	(pc) =	sbr.rel @p0 .LBB2_2-.Ltmp0, $3  }
0x23: {  	_ =	sdelay $0x1  }
0x24: {  	s18 =	sshra.s32 s17, $0x2;
	s17 =	sadd.s32 $0x200, s17  }
0x25: {  	[spmem:s2] =	stream.indirect.scatter.add.f32 [tilespmem:s12], [sflag:$0x1], $0x1, s18, s11, $0xb8;
	[tilespmem:$0x2B00] =	vst v63  }
0x26: {  	_ =	swait.ge [sflag:s13], $0x80  }
0x27: {  	s17 =	simm.s32 $0x4F;
	[sflag:s13] =	ssyncset.done $0x0  }
.LBB2_4:
0x28: {  	p0 =	sne.s32 s17, $0x1;
	s17 =	sadd.s32 $0xFFFFFFFF, s17;
	[sflag:s13] =	ssyncadd.s32 $0xFFFFFF80  }
.Ltmp1:
0x29: {  	(pc) =	sbr.rel @p0 .LBB2_4-.Ltmp1, $3  }
0x2a: {  	_ =	sdelay $0x1  }
0x2b: {  	_ =	swait.ge [sflag:s13], $0x80  }
0x2c: {  	[sflag:s13] =	ssyncset.done $0x0  }
0x2d: {  	s16 =	sadd.s32 $0x1, s16  }
0x2e: {  	[sflag:s13] =	ssyncadd.s32 $0xFFFFFF80;
	p0 =	sne.s32 s16, s8  }
.Ltmp2:
0x2f: {  	[bflag:$0x0] =	sbarrier.arrive $0xFFFF;
	(pc) =	sbr.rel @p0 .LBB2_1-.Ltmp2, $4  }
0x30: {  	[hbm:s7@s14], [sflag:s5] =	dma.strided [spmem:s9@s15], $0x50, s13, $0x10   }
0x31: {  	_ =	swait.ge [sflag:s10], $0x50  }
0x32: {  	[sflag:s10] =	ssyncset.done $0x0  }
0x33: {  	[sflag:s10] =	ssyncadd.s32 $0xFFFFFFB0  }
0x34: {  	_ =	sfence.sel $0x180000  }
0x35: {  	[bflag:$0x0] =	sbarrier.arrive $0xFFFF  }
0x36: {  	p0 =	sne.s32 s1, $0x0;
	_ =	strace $0x90000047  }
0x37: {  	s0 =	sadd.s32 @!p0 $0x100000, s0;
	[bflag:$0x2] =	sbarrier.arrive $0xFFFF  }
0x38: {  	[sflag:s0] =	ssyncadd.tile.s32 @!p0 $0x1;
	_ =	shalt  }
.Lfunc_end2:
_tile_overlayer_lowered:
.L_overlay_start_2:
0x39: {  	(tag) =	ssettag $0x2  }
0x3a: {  	s0 =	rddreg [dreg:$0x0];
	s2 =	stileid.u32  }
0x3b: {  	s1 =	rddreg [dreg:$0x1];
	p0 =	sne.s32 s2, $0x0  }
0x3c: {  	s3 =	rddreg [dreg:$0x2];
	[bflag:$0x3] =	sbarrier.arrive $0xFFFF;
	s2 =	simm.s32 @!p0 $0x1C02  }
0x3d: {  	[timem:s3], [sflag:s2] =	dma.local @!p0 [hbm:s0], s1  }
0x3e: {  	s0 =	simm.s32 @!p0 $0x2  }
0x3f: {  	_ =	swait.ge @!p0 [sflag:s0], s1  }
0x40: {  	s1 =	ssub.s32 @!p0 $0x0, s1;
	[sflag:s0] =	ssyncset.done @!p0 $0x0  }
0x41: {  	[sflag:s0] =	ssyncadd.s32 @!p0 s1  }
0x42: {  	[bflag:$0x3] =	sbarrier.arrive $0xFFFF  }
0x43: {  	_ =	shalt  }

</sc_bundles>
